<compile_context>
chip_gen: v7x
topology: tpu7x:2x2x1
jax: 0.10.2.dev20260603
libtpu: 0.0.44.dev20260713+nightly
codegen_flags: <defaults>
</compile_context>

<pallas_src>
import functools

import jax
import jax.numpy as jnp
from jax import lax
from jax.experimental import pallas as pl
from jax.experimental.pallas import tpu as pltpu
from jax.experimental.pallas import tpu_sc as plsc

E = 160000
D = 128


_BLK = 3200
_NBLK = E // _BLK


def _tc_body(x_ref, w_ref, a2_ref, b_ref, h_ref, sd_ref):
    h = jnp.dot(x_ref[...], w_ref[...], preferred_element_type=jnp.float32)
    sd = lax.dot_general(a2_ref[...], h, (((1,), (1,)), ((), ())),
                         preferred_element_type=jnp.float32)
    sd_ref[...] = sd.reshape(1, 2, _BLK)
    h_ref[...] = h + b_ref[...]


_tc_call = pl.pallas_call(
    _tc_body,
    grid=(_NBLK,),
    in_specs=[
        pl.BlockSpec((_BLK, D), lambda i: (i, 0)),
        pl.BlockSpec((D, D), lambda i: (0, 0)),
        pl.BlockSpec((2, D), lambda i: (0, 0)),
        pl.BlockSpec((1, D), lambda i: (0, 0)),
    ],
    out_specs=[
        pl.BlockSpec((_BLK, D), lambda i: (i, 0)),
        pl.BlockSpec((1, 2, _BLK), lambda i: (i, 0, 0)),
    ],
    out_shape=[
        jax.ShapeDtypeStruct((E, D), jnp.float32),
        jax.ShapeDtypeStruct((_NBLK, 2, _BLK), jnp.float32),
    ],
)


_NC = 2
_NS = 16
_NW = _NC * _NS
_L = 16
_C = 128
_NCHUNK = E // _C
_BASE = _NCHUNK // _NW
_REM = _NCHUNK % _NW
_SLOTS = _BASE + 1


def _sc_body(ea_hbm, eb_hbm, h_hbm, s_hbm, d_hbm, out_hbm,
             ia, ib, ssl, ddl,
             ra0, rb0, rs0, sa0, sb0,
             ra1, rb1, rs1, sa1, sb1,
             gsem0, gsem1, wsem0, wsem1):
    wid = lax.axis_index("s") * _NC + lax.axis_index("c")
    nch = _BASE + (wid < _REM).astype(jnp.int32)
    cbase = wid * _BASE + jnp.minimum(wid, _REM)

    ebase = cbase * _C
    _B = _BASE * _C

    pltpu.sync_copy(ea_hbm.at[pl.ds(ebase, _B)], ia.at[pl.ds(0, _B)])
    pltpu.sync_copy(eb_hbm.at[pl.ds(ebase, _B)], ib.at[pl.ds(0, _B)])
    pltpu.sync_copy(s_hbm.at[pl.ds(ebase, _B)], ssl.at[pl.ds(0, _B)])
    pltpu.sync_copy(d_hbm.at[pl.ds(ebase, _B)], ddl.at[pl.ds(0, _B)])

    @pl.when(nch > _BASE)
    def _():
        pltpu.sync_copy(ea_hbm.at[pl.ds(ebase + _B, _C)], ia.at[pl.ds(_B, _C)])
        pltpu.sync_copy(eb_hbm.at[pl.ds(ebase + _B, _C)], ib.at[pl.ds(_B, _C)])
        pltpu.sync_copy(s_hbm.at[pl.ds(ebase + _B, _C)], ssl.at[pl.ds(_B, _C)])
        pltpu.sync_copy(d_hbm.at[pl.ds(ebase + _B, _C)], ddl.at[pl.ds(_B, _C)])

    bufs = ((ra0, rb0, rs0, sa0, sb0, gsem0, wsem0),
            (ra1, rb1, rs1, sa1, sb1, gsem1, wsem1))

    def issue(t, buf):
        ra, rb, rs, sa, sb, gsem, wsem = buf

        @pl.when(t < nch)
        def _():
            base = (cbase + t) * _C

            pltpu.async_copy(h_hbm.at[ib.at[pl.ds(t * _C, _C)]], rb, gsem)
            pltpu.async_copy(s_hbm.at[ia.at[pl.ds(t * _C, _C)]], sa, gsem)
            pltpu.async_copy(s_hbm.at[ib.at[pl.ds(t * _C, _C)]], sb, gsem)
            pltpu.async_copy(h_hbm.at[pl.ds(base, _C)], rs, gsem)

            @pl.when(t >= 2)
            def _():
                pltpu.make_async_copy(
                    ra, out_hbm.at[pl.ds(0, _C)], wsem).wait()

            pltpu.async_copy(h_hbm.at[ia.at[pl.ds(t * _C, _C)]], ra, gsem)

    def process(t, buf):
        ra, rb, rs, sa, sb, gsem, wsem = buf

        @pl.when(t < nch)
        def _():
            base = (cbase + t) * _C
            pltpu.make_async_copy(h_hbm.at[ia.at[pl.ds(t * _C, _C)]], ra, gsem).wait()
            pltpu.make_async_copy(h_hbm.at[ib.at[pl.ds(t * _C, _C)]], rb, gsem).wait()
            pltpu.make_async_copy(s_hbm.at[ia.at[pl.ds(t * _C, _C)]], sa, gsem).wait()
            pltpu.make_async_copy(s_hbm.at[ib.at[pl.ds(t * _C, _C)]], sb, gsem).wait()
            pltpu.make_async_copy(h_hbm.at[pl.ds(base, _C)], rs, gsem).wait()

            def group_body(g, gcarry):
                gs = pl.ds(g * _L, _L)
                va = sa[gs]
                vb = sb[gs]
                ts = pl.ds(t * _C + g * _L, _L)
                vs = ssl[ts]
                vd = ddl[ts]
                e1 = va + vd
                e2 = vb + vd
                e3 = vs + vd
                e1 = jnp.where(e1 > 0, e1, 0.2 * e1)
                e2 = jnp.where(e2 > 0, e2, 0.2 * e2)
                e3 = jnp.where(e3 > 0, e3, 0.2 * e3)
                m = jnp.maximum(e1, jnp.maximum(e2, e3))
                x1 = jnp.exp(e1 - m)
                x2 = jnp.exp(e2 - m)
                x3 = jnp.exp(e3 - m)
                inv = 1.0 / (x1 + x2 + x3 + 1e-16)
                a1v = x1 * inv
                a2v = x2 * inv
                a3v = x3 * inv

                @plsc.parallel_loop(0, _L, 1, unroll=4)
                def _edge(j):
                    r = g * _L + j
                    jj = jnp.zeros((_L,), jnp.int32) + j
                    b1 = a1v.at[jj].get(mode="promise_in_bounds")
                    b2 = a2v.at[jj].get(mode="promise_in_bounds")
                    b3 = a3v.at[jj].get(mode="promise_in_bounds")
                    for c in range(D // _L):
                        cs = pl.ds(c * _L, _L)
                        ra[r, cs] = (b1 * ra[r, cs] + b2 * rb[r, cs]
                                     + b3 * rs[r, cs])

                return gcarry

            lax.fori_loop(0, _C // _L, group_body, 0, unroll=False)
            pltpu.async_copy(ra, out_hbm.at[pl.ds(base, _C)], wsem)

    issue(0, bufs[0])

    def pair_body(k, carry):
        t0 = 2 * k
        issue(t0 + 1, bufs[1])
        process(t0, bufs[0])
        issue(t0 + 2, bufs[0])
        process(t0 + 1, bufs[1])
        return carry

    lax.fori_loop(0, _SLOTS // 2, pair_body, 0, unroll=False)

    for b in range(2):
        ra = bufs[b][0]
        wsem = bufs[b][6]
        pltpu.make_async_copy(ra, out_hbm.at[pl.ds(0, _C)], wsem).wait()


_sc_call = functools.partial(
    pl.kernel,
    mesh=plsc.VectorSubcoreMesh(core_axis_name="c", subcore_axis_name="s"),
    out_type=jax.ShapeDtypeStruct((E, D), jnp.float32),
    scratch_types=(
        [pltpu.VMEM((_SLOTS * _C,), jnp.int32)] * 2
        + [pltpu.VMEM((_SLOTS * _C,), jnp.float32)] * 2
        + [pltpu.VMEM((_C, D), jnp.float32),
           pltpu.VMEM((_C, D), jnp.float32),
           pltpu.VMEM((_C, D), jnp.float32),
           pltpu.VMEM((_C,), jnp.float32),
           pltpu.VMEM((_C,), jnp.float32)] * 2
        + [pltpu.SemaphoreType.DMA] * 4
    ),
)(_sc_body)


def kernel(x, edge_index, W, att_src, att_dst, bias):
    a2 = jnp.stack([att_src, att_dst])
    h, sd = _tc_call(x, W, a2, bias.reshape(1, D))
    s = sd[:, 0, :].reshape(E)
    d = sd[:, 1, :].reshape(E)
    return _sc_call(edge_index[0], edge_index[1], h, s, d)

# --- scband reference (transcript-rebuilt; emitter-appended) ---
"""Pipeline reference for scband-gatmodel-28089086116668 (READ-ONLY COPY).

The authoritative reference and input builder live on the scoring server;
editing this copy changes nothing except your own understanding.
"""

import jax, jax.numpy as jnp
import numpy as np

N_NODES = 10000
E = 160000
D_IN = 128
D_OUT = 128

def setup_inputs(seed: int = 0) -> dict:
    key = jax.random.key(seed)
    k1, k2, k3, k4, k5 = jax.random.split(key, 5)
    x = jax.random.normal(k1, (E, D_IN), dtype=jnp.float32)
    edge_index = jax.random.randint(k2, (2, E), 0, N_NODES, dtype=jnp.int32)
    # GATConv (heads=1) parameters: lin weight (glorot), att_src, att_dst, bias
    W = jax.random.normal(k3, (D_IN, D_OUT), dtype=jnp.float32) * (1.0 / np.sqrt(D_IN))
    att_src = jax.random.normal(k4, (D_OUT,), dtype=jnp.float32) * 0.1
    att_dst = jax.random.normal(k5, (D_OUT,), dtype=jnp.float32) * 0.1
    bias = jnp.zeros((D_OUT,), dtype=jnp.float32)
    return {"x": x, "edge_index": edge_index, "W": W, "att_src": att_src, "att_dst": att_dst, "bias": bias}

def reference(x, edge_index, W, att_src, att_dst, bias):
    E_ = edge_index.shape[1]
    M = x.shape[0]
    # Build artificial edge index: for each edge i append [src, i] and [tgt, i]
    art_src = jnp.stack([edge_index[0], edge_index[1]], axis=1).reshape(-1)  # [2E]
    art_dst = jnp.repeat(jnp.arange(E_, dtype=edge_index.dtype), 2)          # [2E]
    # GATConv default add_self_loops=True over the M artificial nodes
    loop = jnp.arange(M, dtype=edge_index.dtype)
    src = jnp.concatenate([art_src, loop])
    dst = jnp.concatenate([art_dst, loop])
    # Linear transform
    h = x @ W                       # [M, D_OUT]
    a_s = h @ att_src               # [M]
    a_d = h @ att_dst               # [M]
    # LeakyReLU(negative_slope=0.2) on per-edge attention logits
    e = a_s[src] + a_d[dst]
    e = jnp.where(e > 0, e, 0.2 * e)
    # softmax over incoming edges per destination node
    emax = jax.ops.segment_max(e, dst, num_segments=M)
    emax = jnp.where(jnp.isfinite(emax), emax, 0.0)
    emax = jax.lax.stop_gradient(emax)
    ex = jnp.exp(e - emax[dst])
    denom = jax.ops.segment_sum(ex, dst, num_segments=M)
    alpha = ex / (denom[dst] + 1e-16)
    # message passing: weighted sum of source features into destination
    out = jax.ops.segment_sum(h[src] * alpha[:, None], dst, num_segments=M)
    out = out + bias
    return out

if __name__ == "__main__":
    import jax
    _d = setup_inputs()
    print(jax.jit(kernel)(*tuple(_d.values())))

</pallas_src>

<mosaic_0001>
#map = affine_map<(d0, d1) -> (0)>
#map1 = affine_map<(d0, d1) -> (0, 0)>
module attributes {stable_mosaic.version = 14 : i64} {
  func.func @_sc_body(%arg0: i32, %arg1: i32, %arg2: memref<160000xi32, #tpu.memory_space<hbm>>, %arg3: memref<160000xi32, #tpu.memory_space<hbm>>, %arg4: memref<160000x128xf32, #tpu.memory_space<hbm>>, %arg5: memref<160000xf32, #tpu.memory_space<hbm>>, %arg6: memref<160000xf32, #tpu.memory_space<hbm>>, %arg7: memref<160000x128xf32, #tpu.memory_space<hbm>>, %arg8: memref<5120xi32, #tpu.memory_space<vmem>>, %arg9: memref<5120xi32, #tpu.memory_space<vmem>>, %arg10: memref<5120xf32, #tpu.memory_space<vmem>>, %arg11: memref<5120xf32, #tpu.memory_space<vmem>>, %arg12: memref<128x128xf32, #tpu.memory_space<vmem>>, %arg13: memref<128x128xf32, #tpu.memory_space<vmem>>, %arg14: memref<128x128xf32, #tpu.memory_space<vmem>>, %arg15: memref<128xf32, #tpu.memory_space<vmem>>, %arg16: memref<128xf32, #tpu.memory_space<vmem>>, %arg17: memref<128x128xf32, #tpu.memory_space<vmem>>, %arg18: memref<128x128xf32, #tpu.memory_space<vmem>>, %arg19: memref<128x128xf32, #tpu.memory_space<vmem>>, %arg20: memref<128xf32, #tpu.memory_space<vmem>>, %arg21: memref<128xf32, #tpu.memory_space<vmem>>, %arg22: memref<!tpu.dma_semaphore, #tpu.memory_space<semaphore_mem>>, %arg23: memref<!tpu.dma_semaphore, #tpu.memory_space<semaphore_mem>>, %arg24: memref<!tpu.dma_semaphore, #tpu.memory_space<semaphore_mem>>, %arg25: memref<!tpu.dma_semaphore, #tpu.memory_space<semaphore_mem>>) attributes {dimension_semantics = [#tpu.dimension_semantics<core_parallel>, #tpu.dimension_semantics<subcore_parallel>], iteration_bounds = array<i64: 2, 16>, scalar_prefetch = 0 : i64, scratch_operands = 18 : i64, tpu.core_type = #tpu.core_type<sc_vector_subcore>, window_params = [{transform_indices = #map}, {transform_indices = #map}, {transform_indices = #map1}, {transform_indices = #map}, {transform_indices = #map}, {transform_indices = #map1}]} {
    %mul3A = arith.constant 2 : i32
    %mul3A_0 = arith.muli %arg1, %mul3A : i32
    %add3A = arith.addi %mul3A_0, %arg0 : i32
    %lt3A = arith.constant 2 : i32
    %lt3A_1 = arith.cmpi slt, %add3A, %lt3A : i32
    %convert_element_type3A = arith.extui %lt3A_1 : i1 to i32
    %add3A_2 = arith.constant 39 : i32
    %add3A_3 = arith.addi %add3A_2, %convert_element_type3A : i32
    %mul3A_4 = arith.constant 39 : i32
    %mul3A_5 = arith.muli %add3A, %mul3A_4 : i32
    %min3A = arith.constant 2 : i32
    %min3A_6 = arith.minsi %add3A, %min3A : i32
    %add3A_7 = arith.addi %mul3A_5, %min3A_6 : i32
    %mul3A_8 = arith.constant 128 : i32
    %mul3A_9 = arith.muli %add3A_7, %mul3A_8 : i32
    "tpu.region"() ({
      %run_scoped3A = tpu.sem_alloc : memref<!tpu.dma_semaphore, #tpu.memory_space<semaphore_mem>>
      %dma_start3A = arith.constant 0 : i32
      %dma_start3A_34 = tpu.memref_slice %arg8[%dma_start3A] : memref<5120xi32, #tpu.memory_space<vmem>> -> memref<4992xi32, #tpu.memory_space<vmem>>
      %dma_start3A_35 = tpu.memref_slice %arg2[%mul3A_9] : memref<160000xi32, #tpu.memory_space<hbm>> -> memref<4992xi32, #tpu.memory_space<hbm>>
      %dma_start3A_36 = arith.constant 0 : i32
      %dma_start3A_37 = tpu.memref_slice %arg8[%dma_start3A_36] : memref<5120xi32, #tpu.memory_space<vmem>> -> memref<4992xi32, #tpu.memory_space<vmem>>
      %dma_start3A_38 = tpu.memref_slice %arg2[%mul3A_9] : memref<160000xi32, #tpu.memory_space<hbm>> -> memref<4992xi32, #tpu.memory_space<hbm>>
      tpu.enqueue_dma source(%dma_start3A_38 : memref<4992xi32, #tpu.memory_space<hbm>>) target(%dma_start3A_37 : memref<4992xi32, #tpu.memory_space<vmem>>) target_semaphore(%run_scoped3A : memref<!tpu.dma_semaphore, #tpu.memory_space<semaphore_mem>>)
      %dma_wait3A_39 = arith.constant 0 : i32
      %dma_wait3A_40 = tpu.memref_slice %arg8[%dma_wait3A_39] : memref<5120xi32, #tpu.memory_space<vmem>> -> memref<4992xi32, #tpu.memory_space<vmem>>
      %dma_wait3A_41 = tpu.memref_slice %arg2[%mul3A_9] : memref<160000xi32, #tpu.memory_space<hbm>> -> memref<4992xi32, #tpu.memory_space<hbm>>
      %dma_wait3A_42 = arith.constant 0 : i32
      %dma_wait3A_43 = tpu.memref_slice %arg8[%dma_wait3A_42] : memref<5120xi32, #tpu.memory_space<vmem>> -> memref<4992xi32, #tpu.memory_space<vmem>>
      %dma_wait3A_44 = tpu.memref_slice %arg2[%mul3A_9] : memref<160000xi32, #tpu.memory_space<hbm>> -> memref<4992xi32, #tpu.memory_space<hbm>>
      tpu.wait_dma2 semaphore(%run_scoped3A : memref<!tpu.dma_semaphore, #tpu.memory_space<semaphore_mem>>) src(%dma_wait3A_44 : memref<4992xi32, #tpu.memory_space<hbm>>) dst(%dma_wait3A_43 : memref<4992xi32, #tpu.memory_space<vmem>>)
      tpu.yield
    }) : () -> ()
    "tpu.region"() ({
      %run_scoped3A = tpu.sem_alloc : memref<!tpu.dma_semaphore, #tpu.memory_space<semaphore_mem>>
      %dma_start3A = arith.constant 0 : i32
      %dma_start3A_34 = tpu.memref_slice %arg9[%dma_start3A] : memref<5120xi32, #tpu.memory_space<vmem>> -> memref<4992xi32, #tpu.memory_space<vmem>>
      %dma_start3A_35 = tpu.memref_slice %arg3[%mul3A_9] : memref<160000xi32, #tpu.memory_space<hbm>> -> memref<4992xi32, #tpu.memory_space<hbm>>
      %dma_start3A_36 = arith.constant 0 : i32
      %dma_start3A_37 = tpu.memref_slice %arg9[%dma_start3A_36] : memref<5120xi32, #tpu.memory_space<vmem>> -> memref<4992xi32, #tpu.memory_space<vmem>>
      %dma_start3A_38 = tpu.memref_slice %arg3[%mul3A_9] : memref<160000xi32, #tpu.memory_space<hbm>> -> memref<4992xi32, #tpu.memory_space<hbm>>
      tpu.enqueue_dma source(%dma_start3A_38 : memref<4992xi32, #tpu.memory_space<hbm>>) target(%dma_start3A_37 : memref<4992xi32, #tpu.memory_space<vmem>>) target_semaphore(%run_scoped3A : memref<!tpu.dma_semaphore, #tpu.memory_space<semaphore_mem>>)
      %dma_wait3A_39 = arith.constant 0 : i32
      %dma_wait3A_40 = tpu.memref_slice %arg9[%dma_wait3A_39] : memref<5120xi32, #tpu.memory_space<vmem>> -> memref<4992xi32, #tpu.memory_space<vmem>>
      %dma_wait3A_41 = tpu.memref_slice %arg3[%mul3A_9] : memref<160000xi32, #tpu.memory_space<hbm>> -> memref<4992xi32, #tpu.memory_space<hbm>>
      %dma_wait3A_42 = arith.constant 0 : i32
      %dma_wait3A_43 = tpu.memref_slice %arg9[%dma_wait3A_42] : memref<5120xi32, #tpu.memory_space<vmem>> -> memref<4992xi32, #tpu.memory_space<vmem>>
      %dma_wait3A_44 = tpu.memref_slice %arg3[%mul3A_9] : memref<160000xi32, #tpu.memory_space<hbm>> -> memref<4992xi32, #tpu.memory_space<hbm>>
      tpu.wait_dma2 semaphore(%run_scoped3A : memref<!tpu.dma_semaphore, #tpu.memory_space<semaphore_mem>>) src(%dma_wait3A_44 : memref<4992xi32, #tpu.memory_space<hbm>>) dst(%dma_wait3A_43 : memref<4992xi32, #tpu.memory_space<vmem>>)
      tpu.yield
    }) : () -> ()
    "tpu.region"() ({
      %run_scoped3A = tpu.sem_alloc : memref<!tpu.dma_semaphore, #tpu.memory_space<semaphore_mem>>
      %dma_start3A = arith.constant 0 : i32
      %dma_start3A_34 = tpu.memref_slice %arg10[%dma_start3A] : memref<5120xf32, #tpu.memory_space<vmem>> -> memref<4992xf32, #tpu.memory_space<vmem>>
      %dma_start3A_35 = tpu.memref_slice %arg5[%mul3A_9] : memref<160000xf32, #tpu.memory_space<hbm>> -> memref<4992xf32, #tpu.memory_space<hbm>>
      %dma_start3A_36 = arith.constant 0 : i32
      %dma_start3A_37 = tpu.memref_slice %arg10[%dma_start3A_36] : memref<5120xf32, #tpu.memory_space<vmem>> -> memref<4992xf32, #tpu.memory_space<vmem>>
      %dma_start3A_38 = tpu.memref_slice %arg5[%mul3A_9] : memref<160000xf32, #tpu.memory_space<hbm>> -> memref<4992xf32, #tpu.memory_space<hbm>>
      tpu.enqueue_dma source(%dma_start3A_38 : memref<4992xf32, #tpu.memory_space<hbm>>) target(%dma_start3A_37 : memref<4992xf32, #tpu.memory_space<vmem>>) target_semaphore(%run_scoped3A : memref<!tpu.dma_semaphore, #tpu.memory_space<semaphore_mem>>)
      %dma_wait3A_39 = arith.constant 0 : i32
      %dma_wait3A_40 = tpu.memref_slice %arg10[%dma_wait3A_39] : memref<5120xf32, #tpu.memory_space<vmem>> -> memref<4992xf32, #tpu.memory_space<vmem>>
      %dma_wait3A_41 = tpu.memref_slice %arg5[%mul3A_9] : memref<160000xf32, #tpu.memory_space<hbm>> -> memref<4992xf32, #tpu.memory_space<hbm>>
      %dma_wait3A_42 = arith.constant 0 : i32
      %dma_wait3A_43 = tpu.memref_slice %arg10[%dma_wait3A_42] : memref<5120xf32, #tpu.memory_space<vmem>> -> memref<4992xf32, #tpu.memory_space<vmem>>
      %dma_wait3A_44 = tpu.memref_slice %arg5[%mul3A_9] : memref<160000xf32, #tpu.memory_space<hbm>> -> memref<4992xf32, #tpu.memory_space<hbm>>
      tpu.wait_dma2 semaphore(%run_scoped3A : memref<!tpu.dma_semaphore, #tpu.memory_space<semaphore_mem>>) src(%dma_wait3A_44 : memref<4992xf32, #tpu.memory_space<hbm>>) dst(%dma_wait3A_43 : memref<4992xf32, #tpu.memory_space<vmem>>)
      tpu.yield
    }) : () -> ()
    "tpu.region"() ({
      %run_scoped3A = tpu.sem_alloc : memref<!tpu.dma_semaphore, #tpu.memory_space<semaphore_mem>>
      %dma_start3A = arith.constant 0 : i32
      %dma_start3A_34 = tpu.memref_slice %arg11[%dma_start3A] : memref<5120xf32, #tpu.memory_space<vmem>> -> memref<4992xf32, #tpu.memory_space<vmem>>
      %dma_start3A_35 = tpu.memref_slice %arg6[%mul3A_9] : memref<160000xf32, #tpu.memory_space<hbm>> -> memref<4992xf32, #tpu.memory_space<hbm>>
      %dma_start3A_36 = arith.constant 0 : i32
      %dma_start3A_37 = tpu.memref_slice %arg11[%dma_start3A_36] : memref<5120xf32, #tpu.memory_space<vmem>> -> memref<4992xf32, #tpu.memory_space<vmem>>
      %dma_start3A_38 = tpu.memref_slice %arg6[%mul3A_9] : memref<160000xf32, #tpu.memory_space<hbm>> -> memref<4992xf32, #tpu.memory_space<hbm>>
      tpu.enqueue_dma source(%dma_start3A_38 : memref<4992xf32, #tpu.memory_space<hbm>>) target(%dma_start3A_37 : memref<4992xf32, #tpu.memory_space<vmem>>) target_semaphore(%run_scoped3A : memref<!tpu.dma_semaphore, #tpu.memory_space<semaphore_mem>>)
      %dma_wait3A_39 = arith.constant 0 : i32
      %dma_wait3A_40 = tpu.memref_slice %arg11[%dma_wait3A_39] : memref<5120xf32, #tpu.memory_space<vmem>> -> memref<4992xf32, #tpu.memory_space<vmem>>
      %dma_wait3A_41 = tpu.memref_slice %arg6[%mul3A_9] : memref<160000xf32, #tpu.memory_space<hbm>> -> memref<4992xf32, #tpu.memory_space<hbm>>
      %dma_wait3A_42 = arith.constant 0 : i32
      %dma_wait3A_43 = tpu.memref_slice %arg11[%dma_wait3A_42] : memref<5120xf32, #tpu.memory_space<vmem>> -> memref<4992xf32, #tpu.memory_space<vmem>>
      %dma_wait3A_44 = tpu.memref_slice %arg6[%mul3A_9] : memref<160000xf32, #tpu.memory_space<hbm>> -> memref<4992xf32, #tpu.memory_space<hbm>>
      tpu.wait_dma2 semaphore(%run_scoped3A : memref<!tpu.dma_semaphore, #tpu.memory_space<semaphore_mem>>) src(%dma_wait3A_44 : memref<4992xf32, #tpu.memory_space<hbm>>) dst(%dma_wait3A_43 : memref<4992xf32, #tpu.memory_space<vmem>>)
      tpu.yield
    }) : () -> ()
    %gt3A = arith.constant 39 : i32
    %gt3A_10 = arith.cmpi sgt, %add3A_3, %gt3A : i32
    %convert_element_type3A_11 = arith.extui %gt3A_10 : i1 to i32
    %cond3A = arith.constant 0 : i32
    %cond3A_12 = arith.cmpi ne, %convert_element_type3A_11, %cond3A : i32
    scf.if %cond3A_12 {
      %add3A_34 = arith.constant 4992 : i32
      %add3A_35 = arith.addi %mul3A_9, %add3A_34 : i32
      "tpu.region"() ({
        %run_scoped3A = tpu.sem_alloc : memref<!tpu.dma_semaphore, #tpu.memory_space<semaphore_mem>>
        %dma_start3A = arith.constant 4992 : i32
        %dma_start3A_42 = tpu.memref_slice %arg8[%dma_start3A] : memref<5120xi32, #tpu.memory_space<vmem>> -> memref<128xi32, #tpu.memory_space<vmem>>
        %dma_start3A_43 = tpu.memref_slice %arg2[%add3A_35] : memref<160000xi32, #tpu.memory_space<hbm>> -> memref<128xi32, #tpu.memory_space<hbm>>
        %dma_start3A_44 = arith.constant 4992 : i32
        %dma_start3A_45 = tpu.memref_slice %arg8[%dma_start3A_44] : memref<5120xi32, #tpu.memory_space<vmem>> -> memref<128xi32, #tpu.memory_space<vmem>>
        %dma_start3A_46 = tpu.memref_slice %arg2[%add3A_35] : memref<160000xi32, #tpu.memory_space<hbm>> -> memref<128xi32, #tpu.memory_space<hbm>>
        tpu.enqueue_dma source(%dma_start3A_46 : memref<128xi32, #tpu.memory_space<hbm>>) target(%dma_start3A_45 : memref<128xi32, #tpu.memory_space<vmem>>) target_semaphore(%run_scoped3A : memref<!tpu.dma_semaphore, #tpu.memory_space<semaphore_mem>>)
        %dma_wait3A_47 = arith.constant 4992 : i32
        %dma_wait3A_48 = tpu.memref_slice %arg8[%dma_wait3A_47] : memref<5120xi32, #tpu.memory_space<vmem>> -> memref<128xi32, #tpu.memory_space<vmem>>
        %dma_wait3A_49 = tpu.memref_slice %arg2[%add3A_35] : memref<160000xi32, #tpu.memory_space<hbm>> -> memref<128xi32, #tpu.memory_space<hbm>>
        %dma_wait3A_50 = arith.constant 4992 : i32
        %dma_wait3A_51 = tpu.memref_slice %arg8[%dma_wait3A_50] : memref<5120xi32, #tpu.memory_space<vmem>> -> memref<128xi32, #tpu.memory_space<vmem>>
        %dma_wait3A_52 = tpu.memref_slice %arg2[%add3A_35] : memref<160000xi32, #tpu.memory_space<hbm>> -> memref<128xi32, #tpu.memory_space<hbm>>
        tpu.wait_dma2 semaphore(%run_scoped3A : memref<!tpu.dma_semaphore, #tpu.memory_space<semaphore_mem>>) src(%dma_wait3A_52 : memref<128xi32, #tpu.memory_space<hbm>>) dst(%dma_wait3A_51 : memref<128xi32, #tpu.memory_space<vmem>>)
        tpu.yield
      }) : () -> ()
      %add3A_36 = arith.constant 4992 : i32
      %add3A_37 = arith.addi %mul3A_9, %add3A_36 : i32
      "tpu.region"() ({
        %run_scoped3A = tpu.sem_alloc : memref<!tpu.dma_semaphore, #tpu.memory_space<semaphore_mem>>
        %dma_start3A = arith.constant 4992 : i32
        %dma_start3A_42 = tpu.memref_slice %arg9[%dma_start3A] : memref<5120xi32, #tpu.memory_space<vmem>> -> memref<128xi32, #tpu.memory_space<vmem>>
        %dma_start3A_43 = tpu.memref_slice %arg3[%add3A_37] : memref<160000xi32, #tpu.memory_space<hbm>> -> memref<128xi32, #tpu.memory_space<hbm>>
        %dma_start3A_44 = arith.constant 4992 : i32
        %dma_start3A_45 = tpu.memref_slice %arg9[%dma_start3A_44] : memref<5120xi32, #tpu.memory_space<vmem>> -> memref<128xi32, #tpu.memory_space<vmem>>
        %dma_start3A_46 = tpu.memref_slice %arg3[%add3A_37] : memref<160000xi32, #tpu.memory_space<hbm>> -> memref<128xi32, #tpu.memory_space<hbm>>
        tpu.enqueue_dma source(%dma_start3A_46 : memref<128xi32, #tpu.memory_space<hbm>>) target(%dma_start3A_45 : memref<128xi32, #tpu.memory_space<vmem>>) target_semaphore(%run_scoped3A : memref<!tpu.dma_semaphore, #tpu.memory_space<semaphore_mem>>)
        %dma_wait3A_47 = arith.constant 4992 : i32
        %dma_wait3A_48 = tpu.memref_slice %arg9[%dma_wait3A_47] : memref<5120xi32, #tpu.memory_space<vmem>> -> memref<128xi32, #tpu.memory_space<vmem>>
        %dma_wait3A_49 = tpu.memref_slice %arg3[%add3A_37] : memref<160000xi32, #tpu.memory_space<hbm>> -> memref<128xi32, #tpu.memory_space<hbm>>
        %dma_wait3A_50 = arith.constant 4992 : i32
        %dma_wait3A_51 = tpu.memref_slice %arg9[%dma_wait3A_50] : memref<5120xi32, #tpu.memory_space<vmem>> -> memref<128xi32, #tpu.memory_space<vmem>>
        %dma_wait3A_52 = tpu.memref_slice %arg3[%add3A_37] : memref<160000xi32, #tpu.memory_space<hbm>> -> memref<128xi32, #tpu.memory_space<hbm>>
        tpu.wait_dma2 semaphore(%run_scoped3A : memref<!tpu.dma_semaphore, #tpu.memory_space<semaphore_mem>>) src(%dma_wait3A_52 : memref<128xi32, #tpu.memory_space<hbm>>) dst(%dma_wait3A_51 : memref<128xi32, #tpu.memory_space<vmem>>)
        tpu.yield
      }) : () -> ()
      %add3A_38 = arith.constant 4992 : i32
      %add3A_39 = arith.addi %mul3A_9, %add3A_38 : i32
      "tpu.region"() ({
        %run_scoped3A = tpu.sem_alloc : memref<!tpu.dma_semaphore, #tpu.memory_space<semaphore_mem>>
        %dma_start3A = arith.constant 4992 : i32
        %dma_start3A_42 = tpu.memref_slice %arg10[%dma_start3A] : memref<5120xf32, #tpu.memory_space<vmem>> -> memref<128xf32, #tpu.memory_space<vmem>>
        %dma_start3A_43 = tpu.memref_slice %arg5[%add3A_39] : memref<160000xf32, #tpu.memory_space<hbm>> -> memref<128xf32, #tpu.memory_space<hbm>>
        %dma_start3A_44 = arith.constant 4992 : i32
        %dma_start3A_45 = tpu.memref_slice %arg10[%dma_start3A_44] : memref<5120xf32, #tpu.memory_space<vmem>> -> memref<128xf32, #tpu.memory_space<vmem>>
        %dma_start3A_46 = tpu.memref_slice %arg5[%add3A_39] : memref<160000xf32, #tpu.memory_space<hbm>> -> memref<128xf32, #tpu.memory_space<hbm>>
        tpu.enqueue_dma source(%dma_start3A_46 : memref<128xf32, #tpu.memory_space<hbm>>) target(%dma_start3A_45 : memref<128xf32, #tpu.memory_space<vmem>>) target_semaphore(%run_scoped3A : memref<!tpu.dma_semaphore, #tpu.memory_space<semaphore_mem>>)
        %dma_wait3A_47 = arith.constant 4992 : i32
        %dma_wait3A_48 = tpu.memref_slice %arg10[%dma_wait3A_47] : memref<5120xf32, #tpu.memory_space<vmem>> -> memref<128xf32, #tpu.memory_space<vmem>>
        %dma_wait3A_49 = tpu.memref_slice %arg5[%add3A_39] : memref<160000xf32, #tpu.memory_space<hbm>> -> memref<128xf32, #tpu.memory_space<hbm>>
        %dma_wait3A_50 = arith.constant 4992 : i32
        %dma_wait3A_51 = tpu.memref_slice %arg10[%dma_wait3A_50] : memref<5120xf32, #tpu.memory_space<vmem>> -> memref<128xf32, #tpu.memory_space<vmem>>
        %dma_wait3A_52 = tpu.memref_slice %arg5[%add3A_39] : memref<160000xf32, #tpu.memory_space<hbm>> -> memref<128xf32, #tpu.memory_space<hbm>>
        tpu.wait_dma2 semaphore(%run_scoped3A : memref<!tpu.dma_semaphore, #tpu.memory_space<semaphore_mem>>) src(%dma_wait3A_52 : memref<128xf32, #tpu.memory_space<hbm>>) dst(%dma_wait3A_51 : memref<128xf32, #tpu.memory_space<vmem>>)
        tpu.yield
      }) : () -> ()
      %add3A_40 = arith.constant 4992 : i32
      %add3A_41 = arith.addi %mul3A_9, %add3A_40 : i32
      "tpu.region"() ({
        %run_scoped3A = tpu.sem_alloc : memref<!tpu.dma_semaphore, #tpu.memory_space<semaphore_mem>>
        %dma_start3A = arith.constant 4992 : i32
        %dma_start3A_42 = tpu.memref_slice %arg11[%dma_start3A] : memref<5120xf32, #tpu.memory_space<vmem>> -> memref<128xf32, #tpu.memory_space<vmem>>
        %dma_start3A_43 = tpu.memref_slice %arg6[%add3A_41] : memref<160000xf32, #tpu.memory_space<hbm>> -> memref<128xf32, #tpu.memory_space<hbm>>
        %dma_start3A_44 = arith.constant 4992 : i32
        %dma_start3A_45 = tpu.memref_slice %arg11[%dma_start3A_44] : memref<5120xf32, #tpu.memory_space<vmem>> -> memref<128xf32, #tpu.memory_space<vmem>>
        %dma_start3A_46 = tpu.memref_slice %arg6[%add3A_41] : memref<160000xf32, #tpu.memory_space<hbm>> -> memref<128xf32, #tpu.memory_space<hbm>>
        tpu.enqueue_dma source(%dma_start3A_46 : memref<128xf32, #tpu.memory_space<hbm>>) target(%dma_start3A_45 : memref<128xf32, #tpu.memory_space<vmem>>) target_semaphore(%run_scoped3A : memref<!tpu.dma_semaphore, #tpu.memory_space<semaphore_mem>>)
        %dma_wait3A_47 = arith.constant 4992 : i32
        %dma_wait3A_48 = tpu.memref_slice %arg11[%dma_wait3A_47] : memref<5120xf32, #tpu.memory_space<vmem>> -> memref<128xf32, #tpu.memory_space<vmem>>
        %dma_wait3A_49 = tpu.memref_slice %arg6[%add3A_41] : memref<160000xf32, #tpu.memory_space<hbm>> -> memref<128xf32, #tpu.memory_space<hbm>>
        %dma_wait3A_50 = arith.constant 4992 : i32
        %dma_wait3A_51 = tpu.memref_slice %arg11[%dma_wait3A_50] : memref<5120xf32, #tpu.memory_space<vmem>> -> memref<128xf32, #tpu.memory_space<vmem>>
        %dma_wait3A_52 = tpu.memref_slice %arg6[%add3A_41] : memref<160000xf32, #tpu.memory_space<hbm>> -> memref<128xf32, #tpu.memory_space<hbm>>
        tpu.wait_dma2 semaphore(%run_scoped3A : memref<!tpu.dma_semaphore, #tpu.memory_space<semaphore_mem>>) src(%dma_wait3A_52 : memref<128xf32, #tpu.memory_space<hbm>>) dst(%dma_wait3A_51 : memref<128xf32, #tpu.memory_space<vmem>>)
        tpu.yield
      }) : () -> ()
    } else {
    }
    %gt3A_13 = arith.constant 0 : i32
    %gt3A_14 = arith.cmpi sgt, %add3A_3, %gt3A_13 : i32
    %convert_element_type3A_15 = arith.extui %gt3A_14 : i1 to i32
    %cond3A_16 = arith.constant 0 : i32
    %cond3A_17 = arith.cmpi ne, %convert_element_type3A_15, %cond3A_16 : i32
    scf.if %cond3A_17 {
      %add3A_34 = arith.constant 0 : i32
      %add3A_35 = arith.addi %add3A_7, %add3A_34 : i32
      %mul3A_36 = arith.constant 128 : i32
      %mul3A_37 = arith.muli %add3A_35, %mul3A_36 : i32
      %dma_start3A = arith.constant 0 : i32
      %dma_start3A_38 = tpu.memref_slice %arg9[%dma_start3A] : memref<5120xi32, #tpu.memory_space<vmem>> -> memref<128xi32, #tpu.memory_space<vmem>>
      %dma_start3A_39 = arith.constant 0 : i32
      %dma_start3A_40 = arith.constant 0 : i32
      %dma_start3A_41 = tpu.memref_slice %arg4[%dma_start3A_39, %dma_start3A_40] : memref<160000x128xf32, #tpu.memory_space<hbm>> -> memref<160000x128xf32, #tpu.memory_space<hbm>>
      tpu.enqueue_indirect_dma source(%dma_start3A_41 : memref<160000x128xf32, #tpu.memory_space<hbm>>) target(%arg13 : memref<128x128xf32, #tpu.memory_space<vmem>>) offsets(%dma_start3A_38 : memref<128xi32, #tpu.memory_space<vmem>>) semaphore(%arg22 : memref<!tpu.dma_semaphore, #tpu.memory_space<semaphore_mem>>)
      %dma_start3A_42 = arith.constant 0 : i32
      %dma_start3A_43 = tpu.memref_slice %arg8[%dma_start3A_42] : memref<5120xi32, #tpu.memory_space<vmem>> -> memref<128xi32, #tpu.memory_space<vmem>>
      %dma_start3A_44 = arith.constant 0 : i32
      %dma_start3A_45 = tpu.memref_slice %arg5[%dma_start3A_44] : memref<160000xf32, #tpu.memory_space<hbm>> -> memref<160000xf32, #tpu.memory_space<hbm>>
      tpu.enqueue_indirect_dma source(%dma_start3A_45 : memref<160000xf32, #tpu.memory_space<hbm>>) target(%arg15 : memref<128xf32, #tpu.memory_space<vmem>>) offsets(%dma_start3A_43 : memref<128xi32, #tpu.memory_space<vmem>>) semaphore(%arg22 : memref<!tpu.dma_semaphore, #tpu.memory_space<semaphore_mem>>)
      %dma_start3A_46 = arith.constant 0 : i32
      %dma_start3A_47 = tpu.memref_slice %arg9[%dma_start3A_46] : memref<5120xi32, #tpu.memory_space<vmem>> -> memref<128xi32, #tpu.memory_space<vmem>>
      %dma_start3A_48 = arith.constant 0 : i32
      %dma_start3A_49 = tpu.memref_slice %arg5[%dma_start3A_48] : memref<160000xf32, #tpu.memory_space<hbm>> -> memref<160000xf32, #tpu.memory_space<hbm>>
      tpu.enqueue_indirect_dma source(%dma_start3A_49 : memref<160000xf32, #tpu.memory_space<hbm>>) target(%arg16 : memref<128xf32, #tpu.memory_space<vmem>>) offsets(%dma_start3A_47 : memref<128xi32, #tpu.memory_space<vmem>>) semaphore(%arg22 : memref<!tpu.dma_semaphore, #tpu.memory_space<semaphore_mem>>)
      %dma_start3A_50 = arith.constant 0 : i32
      %dma_start3A_51 = tpu.memref_slice %arg4[%mul3A_37, %dma_start3A_50] : memref<160000x128xf32, #tpu.memory_space<hbm>> -> memref<128x128xf32, #tpu.memory_space<hbm>>
      %dma_start3A_52 = arith.constant 0 : i32
      %dma_start3A_53 = tpu.memref_slice %arg4[%mul3A_37, %dma_start3A_52] : memref<160000x128xf32, #tpu.memory_space<hbm>> -> memref<128x128xf32, #tpu.memory_space<hbm>>
      tpu.enqueue_dma source(%dma_start3A_53 : memref<128x128xf32, #tpu.memory_space<hbm>>) target(%arg14 : memref<128x128xf32, #tpu.memory_space<vmem>>) target_semaphore(%arg22 : memref<!tpu.dma_semaphore, #tpu.memory_space<semaphore_mem>>)
      %dma_start3A_54 = arith.constant 0 : i32
      %dma_start3A_55 = tpu.memref_slice %arg8[%dma_start3A_54] : memref<5120xi32, #tpu.memory_space<vmem>> -> memref<128xi32, #tpu.memory_space<vmem>>
      %dma_start3A_56 = arith.constant 0 : i32
      %dma_start3A_57 = arith.constant 0 : i32
      %dma_start3A_58 = tpu.memref_slice %arg4[%dma_start3A_56, %dma_start3A_57] : memref<160000x128xf32, #tpu.memory_space<hbm>> -> memref<160000x128xf32, #tpu.memory_space<hbm>>
      tpu.enqueue_indirect_dma source(%dma_start3A_58 : memref<160000x128xf32, #tpu.memory_space<hbm>>) target(%arg12 : memref<128x128xf32, #tpu.memory_space<vmem>>) offsets(%dma_start3A_55 : memref<128xi32, #tpu.memory_space<vmem>>) semaphore(%arg22 : memref<!tpu.dma_semaphore, #tpu.memory_space<semaphore_mem>>)
    } else {
    }
    %scan3A = arith.constant 0 : i32
    %scan3A_18 = arith.constant 0 : i32
    %scan3A_19 = arith.constant 20 : i32
    %scan3A_20 = arith.addi %scan3A_18, %scan3A_19 : i32
    %scan3A_21 = arith.constant 1 : i32
    scf.for %scan3A_34 = %scan3A_18 to %scan3A_20 step %scan3A_21  : i32 {
      %mul3A_35 = arith.constant 2 : i32
      %mul3A_36 = arith.muli %mul3A_35, %scan3A_34 : i32
      %add3A_37 = arith.constant 1 : i32
      %add3A_38 = arith.addi %mul3A_36, %add3A_37 : i32
      %lt3A_39 = arith.cmpi slt, %add3A_38, %add3A_3 : i32
      %convert_element_type3A_40 = arith.extui %lt3A_39 : i1 to i32
      %cond3A_41 = arith.constant 0 : i32
      %cond3A_42 = arith.cmpi ne, %convert_element_type3A_40, %cond3A_41 : i32
      scf.if %cond3A_42 {
        %add3A_59 = arith.addi %add3A_7, %add3A_38 : i32
        %mul3A_60 = arith.constant 128 : i32
        %mul3A_61 = arith.muli %add3A_59, %mul3A_60 : i32
        %mul3A_62 = arith.constant 128 : i32
        %mul3A_63 = arith.muli %add3A_38, %mul3A_62 : i32
        %dma_start3A = tpu.memref_slice %arg9[%mul3A_63] : memref<5120xi32, #tpu.memory_space<vmem>> -> memref<128xi32, #tpu.memory_space<vmem>>
        %dma_start3A_64 = arith.constant 0 : i32
        %dma_start3A_65 = arith.constant 0 : i32
        %dma_start3A_66 = tpu.memref_slice %arg4[%dma_start3A_64, %dma_start3A_65] : memref<160000x128xf32, #tpu.memory_space<hbm>> -> memref<160000x128xf32, #tpu.memory_space<hbm>>
        tpu.enqueue_indirect_dma source(%dma_start3A_66 : memref<160000x128xf32, #tpu.memory_space<hbm>>) target(%arg18 : memref<128x128xf32, #tpu.memory_space<vmem>>) offsets(%dma_start3A : memref<128xi32, #tpu.memory_space<vmem>>) semaphore(%arg23 : memref<!tpu.dma_semaphore, #tpu.memory_space<semaphore_mem>>)
        %mul3A_67 = arith.constant 128 : i32
        %mul3A_68 = arith.muli %add3A_38, %mul3A_67 : i32
        %dma_start3A_69 = tpu.memref_slice %arg8[%mul3A_68] : memref<5120xi32, #tpu.memory_space<vmem>> -> memref<128xi32, #tpu.memory_space<vmem>>
        %dma_start3A_70 = arith.constant 0 : i32
        %dma_start3A_71 = tpu.memref_slice %arg5[%dma_start3A_70] : memref<160000xf32, #tpu.memory_space<hbm>> -> memref<160000xf32, #tpu.memory_space<hbm>>
        tpu.enqueue_indirect_dma source(%dma_start3A_71 : memref<160000xf32, #tpu.memory_space<hbm>>) target(%arg20 : memref<128xf32, #tpu.memory_space<vmem>>) offsets(%dma_start3A_69 : memref<128xi32, #tpu.memory_space<vmem>>) semaphore(%arg23 : memref<!tpu.dma_semaphore, #tpu.memory_space<semaphore_mem>>)
        %mul3A_72 = arith.constant 128 : i32
        %mul3A_73 = arith.muli %add3A_38, %mul3A_72 : i32
        %dma_start3A_74 = tpu.memref_slice %arg9[%mul3A_73] : memref<5120xi32, #tpu.memory_space<vmem>> -> memref<128xi32, #tpu.memory_space<vmem>>
        %dma_start3A_75 = arith.constant 0 : i32
        %dma_start3A_76 = tpu.memref_slice %arg5[%dma_start3A_75] : memref<160000xf32, #tpu.memory_space<hbm>> -> memref<160000xf32, #tpu.memory_space<hbm>>
        tpu.enqueue_indirect_dma source(%dma_start3A_76 : memref<160000xf32, #tpu.memory_space<hbm>>) target(%arg21 : memref<128xf32, #tpu.memory_space<vmem>>) offsets(%dma_start3A_74 : memref<128xi32, #tpu.memory_space<vmem>>) semaphore(%arg23 : memref<!tpu.dma_semaphore, #tpu.memory_space<semaphore_mem>>)
        %dma_start3A_77 = arith.constant 0 : i32
        %dma_start3A_78 = tpu.memref_slice %arg4[%mul3A_61, %dma_start3A_77] : memref<160000x128xf32, #tpu.memory_space<hbm>> -> memref<128x128xf32, #tpu.memory_space<hbm>>
        %dma_start3A_79 = arith.constant 0 : i32
        %dma_start3A_80 = tpu.memref_slice %arg4[%mul3A_61, %dma_start3A_79] : memref<160000x128xf32, #tpu.memory_space<hbm>> -> memref<128x128xf32, #tpu.memory_space<hbm>>
        tpu.enqueue_dma source(%dma_start3A_80 : memref<128x128xf32, #tpu.memory_space<hbm>>) target(%arg19 : memref<128x128xf32, #tpu.memory_space<vmem>>) target_semaphore(%arg23 : memref<!tpu.dma_semaphore, #tpu.memory_space<semaphore_mem>>)
        %ge3A = arith.constant 2 : i32
        %ge3A_81 = arith.cmpi sge, %add3A_38, %ge3A : i32
        %convert_element_type3A_82 = arith.extui %ge3A_81 : i1 to i32
        %cond3A_83 = arith.constant 0 : i32
        %cond3A_84 = arith.cmpi ne, %convert_element_type3A_82, %cond3A_83 : i32
        scf.if %cond3A_84 {
          %dma_wait3A_91 = arith.constant 0 : i32
          %dma_wait3A_92 = arith.constant 0 : i32
          %dma_wait3A_93 = tpu.memref_slice %arg7[%dma_wait3A_91, %dma_wait3A_92] : memref<160000x128xf32, #tpu.memory_space<hbm>> -> memref<128x128xf32, #tpu.memory_space<hbm>>
          %dma_wait3A_94 = arith.constant 0 : i32
          %dma_wait3A_95 = arith.constant 0 : i32
          %dma_wait3A_96 = tpu.memref_slice %arg7[%dma_wait3A_94, %dma_wait3A_95] : memref<160000x128xf32, #tpu.memory_space<hbm>> -> memref<128x128xf32, #tpu.memory_space<hbm>>
          tpu.wait_dma2 semaphore(%arg25 : memref<!tpu.dma_semaphore, #tpu.memory_space<semaphore_mem>>) src(%arg17 : memref<128x128xf32, #tpu.memory_space<vmem>>) dst(%dma_wait3A_96 : memref<128x128xf32, #tpu.memory_space<hbm>>)
        } else {
        }
        %mul3A_85 = arith.constant 128 : i32
        %mul3A_86 = arith.muli %add3A_38, %mul3A_85 : i32
        %dma_start3A_87 = tpu.memref_slice %arg8[%mul3A_86] : memref<5120xi32, #tpu.memory_space<vmem>> -> memref<128xi32, #tpu.memory_space<vmem>>
        %dma_start3A_88 = arith.constant 0 : i32
        %dma_start3A_89 = arith.constant 0 : i32
        %dma_start3A_90 = tpu.memref_slice %arg4[%dma_start3A_88, %dma_start3A_89] : memref<160000x128xf32, #tpu.memory_space<hbm>> -> memref<160000x128xf32, #tpu.memory_space<hbm>>
        tpu.enqueue_indirect_dma source(%dma_start3A_90 : memref<160000x128xf32, #tpu.memory_space<hbm>>) target(%arg17 : memref<128x128xf32, #tpu.memory_space<vmem>>) offsets(%dma_start3A_87 : memref<128xi32, #tpu.memory_space<vmem>>) semaphore(%arg23 : memref<!tpu.dma_semaphore, #tpu.memory_space<semaphore_mem>>)
      } else {
      }
      %lt3A_43 = arith.cmpi slt, %mul3A_36, %add3A_3 : i32
      %convert_element_type3A_44 = arith.extui %lt3A_43 : i1 to i32
      %cond3A_45 = arith.constant 0 : i32
      %cond3A_46 = arith.cmpi ne, %convert_element_type3A_44, %cond3A_45 : i32
      scf.if %cond3A_46 {
        %add3A_59 = arith.addi %add3A_7, %mul3A_36 : i32
        %mul3A_60 = arith.constant 128 : i32
        %mul3A_61 = arith.muli %add3A_59, %mul3A_60 : i32
        %mul3A_62 = arith.constant 128 : i32
        %mul3A_63 = arith.muli %mul3A_36, %mul3A_62 : i32
        %dma_wait3A_64 = tpu.memref_slice %arg8[%mul3A_63] : memref<5120xi32, #tpu.memory_space<vmem>> -> memref<128xi32, #tpu.memory_space<vmem>>
        %dma_wait3A_65 = arith.constant 0 : i32
        %dma_wait3A_66 = arith.constant 0 : i32
        %dma_wait3A_67 = tpu.memref_slice %arg4[%dma_wait3A_65, %dma_wait3A_66] : memref<160000x128xf32, #tpu.memory_space<hbm>> -> memref<160000x128xf32, #tpu.memory_space<hbm>>
        tpu.wait_indirect_dma semaphore(%arg22 : memref<!tpu.dma_semaphore, #tpu.memory_space<semaphore_mem>>) src(%dma_wait3A_67 : memref<160000x128xf32, #tpu.memory_space<hbm>>) dst(%arg12 : memref<128x128xf32, #tpu.memory_space<vmem>>)
        %mul3A_68 = arith.constant 128 : i32
        %mul3A_69 = arith.muli %mul3A_36, %mul3A_68 : i32
        %dma_wait3A_70 = tpu.memref_slice %arg9[%mul3A_69] : memref<5120xi32, #tpu.memory_space<vmem>> -> memref<128xi32, #tpu.memory_space<vmem>>
        %dma_wait3A_71 = arith.constant 0 : i32
        %dma_wait3A_72 = arith.constant 0 : i32
        %dma_wait3A_73 = tpu.memref_slice %arg4[%dma_wait3A_71, %dma_wait3A_72] : memref<160000x128xf32, #tpu.memory_space<hbm>> -> memref<160000x128xf32, #tpu.memory_space<hbm>>
        tpu.wait_indirect_dma semaphore(%arg22 : memref<!tpu.dma_semaphore, #tpu.memory_space<semaphore_mem>>) src(%dma_wait3A_73 : memref<160000x128xf32, #tpu.memory_space<hbm>>) dst(%arg13 : memref<128x128xf32, #tpu.memory_space<vmem>>)
        %mul3A_74 = arith.constant 128 : i32
        %mul3A_75 = arith.muli %mul3A_36, %mul3A_74 : i32
        %dma_wait3A_76 = tpu.memref_slice %arg8[%mul3A_75] : memref<5120xi32, #tpu.memory_space<vmem>> -> memref<128xi32, #tpu.memory_space<vmem>>
        %dma_wait3A_77 = arith.constant 0 : i32
        %dma_wait3A_78 = tpu.memref_slice %arg5[%dma_wait3A_77] : memref<160000xf32, #tpu.memory_space<hbm>> -> memref<160000xf32, #tpu.memory_space<hbm>>
        tpu.wait_indirect_dma semaphore(%arg22 : memref<!tpu.dma_semaphore, #tpu.memory_space<semaphore_mem>>) src(%dma_wait3A_78 : memref<160000xf32, #tpu.memory_space<hbm>>) dst(%arg15 : memref<128xf32, #tpu.memory_space<vmem>>)
        %mul3A_79 = arith.constant 128 : i32
        %mul3A_80 = arith.muli %mul3A_36, %mul3A_79 : i32
        %dma_wait3A_81 = tpu.memref_slice %arg9[%mul3A_80] : memref<5120xi32, #tpu.memory_space<vmem>> -> memref<128xi32, #tpu.memory_space<vmem>>
        %dma_wait3A_82 = arith.constant 0 : i32
        %dma_wait3A_83 = tpu.memref_slice %arg5[%dma_wait3A_82] : memref<160000xf32, #tpu.memory_space<hbm>> -> memref<160000xf32, #tpu.memory_space<hbm>>
        tpu.wait_indirect_dma semaphore(%arg22 : memref<!tpu.dma_semaphore, #tpu.memory_space<semaphore_mem>>) src(%dma_wait3A_83 : memref<160000xf32, #tpu.memory_space<hbm>>) dst(%arg16 : memref<128xf32, #tpu.memory_space<vmem>>)
        %dma_wait3A_84 = arith.constant 0 : i32
        %dma_wait3A_85 = tpu.memref_slice %arg4[%mul3A_61, %dma_wait3A_84] : memref<160000x128xf32, #tpu.memory_space<hbm>> -> memref<128x128xf32, #tpu.memory_space<hbm>>
        %dma_wait3A_86 = arith.constant 0 : i32
        %dma_wait3A_87 = tpu.memref_slice %arg4[%mul3A_61, %dma_wait3A_86] : memref<160000x128xf32, #tpu.memory_space<hbm>> -> memref<128x128xf32, #tpu.memory_space<hbm>>
        tpu.wait_dma2 semaphore(%arg22 : memref<!tpu.dma_semaphore, #tpu.memory_space<semaphore_mem>>) src(%dma_wait3A_87 : memref<128x128xf32, #tpu.memory_space<hbm>>) dst(%arg14 : memref<128x128xf32, #tpu.memory_space<vmem>>)
        %scan3A_88 = arith.constant 0 : i32
        %scan3A_89 = arith.constant 0 : i32
        %scan3A_90 = arith.constant 8 : i32
        %scan3A_91 = arith.addi %scan3A_89, %scan3A_90 : i32
        %scan3A_92 = arith.constant 1 : i32
        scf.for %scan3A_97 = %scan3A_89 to %scan3A_91 step %scan3A_92  : i32 {
          %mul3A_98 = arith.constant 16 : i32
          %mul3A_99 = arith.muli %scan3A_97, %mul3A_98 : i32
          %get3A = arith.index_cast %mul3A_99 : i32 to index
          %get3A_100 = tpu.vector_load %arg15[%get3A] {strides = array<i32>} : memref<128xf32, #tpu.memory_space<vmem>>, vector<16xf32>,
          %get3A_101 = vector.shape_cast %get3A_100 : vector<16xf32> to vector<16xf32>
          %get3A_102 = arith.index_cast %mul3A_99 : i32 to index
          %get3A_103 = tpu.vector_load %arg16[%get3A_102] {strides = array<i32>} : memref<128xf32, #tpu.memory_space<vmem>>, vector<16xf32>,
          %get3A_104 = vector.shape_cast %get3A_103 : vector<16xf32> to vector<16xf32>
          %mul3A_105 = arith.constant 128 : i32
          %mul3A_106 = arith.muli %mul3A_36, %mul3A_105 : i32
          %mul3A_107 = arith.constant 16 : i32
          %mul3A_108 = arith.muli %scan3A_97, %mul3A_107 : i32
          %add3A_109 = arith.addi %mul3A_106, %mul3A_108 : i32
          %get3A_110 = arith.index_cast %add3A_109 : i32 to index
          %get3A_111 = tpu.vector_load %arg10[%get3A_110] {strides = array<i32>} : memref<5120xf32, #tpu.memory_space<vmem>>, vector<16xf32>,
          %get3A_112 = vector.shape_cast %get3A_111 : vector<16xf32> to vector<16xf32>
          %get3A_113 = arith.index_cast %add3A_109 : i32 to index
          %get3A_114 = tpu.vector_load %arg11[%get3A_113] {strides = array<i32>} : memref<5120xf32, #tpu.memory_space<vmem>>, vector<16xf32>,
          %get3A_115 = vector.shape_cast %get3A_114 : vector<16xf32> to vector<16xf32>
          %add3A_116 = arith.addf %get3A_101, %get3A_115 : vector<16xf32>
          %add3A_117 = arith.addf %get3A_104, %get3A_115 : vector<16xf32>
          %add3A_118 = arith.addf %get3A_112, %get3A_115 : vector<16xf32>
          %gt3A_119 = arith.constant 0.000000e+00 : f32
          %gt3A_120 = vector.broadcast %gt3A_119 : f32 to vector<16xf32>
          %gt3A_121 = arith.cmpf ogt, %add3A_116, %gt3A_120 : vector<16xf32>
          %mul3A_122 = arith.constant 2.000000e-01 : f32
          %mul3A_123 = vector.broadcast %mul3A_122 : f32 to vector<16xf32>
          %mul3A_124 = arith.mulf %mul3A_123, %add3A_116 : vector<16xf32>
          %select_n3A = arith.select %gt3A_121, %add3A_116, %mul3A_124 : vector<16xi1>, vector<16xf32>
          %gt3A_125 = arith.constant 0.000000e+00 : f32
          %gt3A_126 = vector.broadcast %gt3A_125 : f32 to vector<16xf32>
          %gt3A_127 = arith.cmpf ogt, %add3A_117, %gt3A_126 : vector<16xf32>
          %mul3A_128 = arith.constant 2.000000e-01 : f32
          %mul3A_129 = vector.broadcast %mul3A_128 : f32 to vector<16xf32>
          %mul3A_130 = arith.mulf %mul3A_129, %add3A_117 : vector<16xf32>
          %select_n3A_131 = arith.select %gt3A_127, %add3A_117, %mul3A_130 : vector<16xi1>, vector<16xf32>
          %gt3A_132 = arith.constant 0.000000e+00 : f32
          %gt3A_133 = vector.broadcast %gt3A_132 : f32 to vector<16xf32>
          %gt3A_134 = arith.cmpf ogt, %add3A_118, %gt3A_133 : vector<16xf32>
          %mul3A_135 = arith.constant 2.000000e-01 : f32
          %mul3A_136 = vector.broadcast %mul3A_135 : f32 to vector<16xf32>
          %mul3A_137 = arith.mulf %mul3A_136, %add3A_118 : vector<16xf32>
          %select_n3A_138 = arith.select %gt3A_134, %add3A_118, %mul3A_137 : vector<16xi1>, vector<16xf32>
          %max3A = arith.maximumf %select_n3A_131, %select_n3A_138 : vector<16xf32>
          %max3A_139 = arith.maximumf %select_n3A, %max3A : vector<16xf32>
          %sub3A = arith.subf %select_n3A, %max3A_139 : vector<16xf32>
          %exp3A = math.exp %sub3A : vector<16xf32>
          %sub3A_140 = arith.subf %select_n3A_131, %max3A_139 : vector<16xf32>
          %exp3A_141 = math.exp %sub3A_140 : vector<16xf32>
          %sub3A_142 = arith.subf %select_n3A_138, %max3A_139 : vector<16xf32>
          %exp3A_143 = math.exp %sub3A_142 : vector<16xf32>
          %add3A_144 = arith.addf %exp3A, %exp3A_141 : vector<16xf32>
          %add3A_145 = arith.addf %add3A_144, %exp3A_143 : vector<16xf32>
          %add3A_146 = arith.constant 1.000000e-16 : f32
          %add3A_147 = vector.broadcast %add3A_146 : f32 to vector<16xf32>
          %add3A_148 = arith.addf %add3A_145, %add3A_147 : vector<16xf32>
          %div3A = arith.constant 1.000000e+00 : f32
          %div3A_149 = vector.broadcast %div3A : f32 to vector<16xf32>
          %div3A_150 = arith.divf %div3A_149, %add3A_148 : vector<16xf32>
          %mul3A_151 = arith.mulf %exp3A, %div3A_150 : vector<16xf32>
          %mul3A_152 = arith.mulf %exp3A_141, %div3A_150 : vector<16xf32>
          %mul3A_153 = arith.mulf %exp3A_143, %div3A_150 : vector<16xf32>
          %parallel_loop3A = arith.constant 0 : i32
          %parallel_loop3A_154 = arith.constant 16 : i32
          %parallel_loop3A_155 = arith.constant 1 : i32
          scf.for %parallel_loop3A_156 = %parallel_loop3A to %parallel_loop3A_154 step %parallel_loop3A_155  : i32 {
            %parallel_loop3A_157 = arith.constant 16 : i32
            %parallel_loop3A_158 = arith.muli %scan3A_97, %parallel_loop3A_157 : i32
            %parallel_loop3A_159 = arith.addi %parallel_loop3A_158, %parallel_loop3A_156 : i32
            %parallel_loop3A_160 = arith.constant 0 : i32
            %parallel_loop3A_161 = vector.broadcast %parallel_loop3A_160 : i32 to vector<16xi32>
            %parallel_loop3A_162 = vector.broadcast %parallel_loop3A_156 : i32 to vector<16xi32>
            %parallel_loop3A_163 = arith.addi %parallel_loop3A_161, %parallel_loop3A_162 : vector<16xi32>
            %parallel_loop3A_164 = arith.constant 0 : i32
            %parallel_loop3A_165 = vector.broadcast %parallel_loop3A_164 : i32 to vector<16xi32>
            %parallel_loop3A_166 = arith.cmpi slt, %parallel_loop3A_163, %parallel_loop3A_165 : vector<16xi32>
            %parallel_loop3A_167 = arith.constant 16 : i32
            %parallel_loop3A_168 = vector.broadcast %parallel_loop3A_167 : i32 to vector<16xi32>
            %parallel_loop3A_169 = arith.addi %parallel_loop3A_163, %parallel_loop3A_168 : vector<16xi32>
            %parallel_loop3A_170 = arith.select %parallel_loop3A_166, %parallel_loop3A_169, %parallel_loop3A_163 : vector<16xi1>, vector<16xi32>
            %parallel_loop3A_171 = vector.shape_cast %parallel_loop3A_170 : vector<16xi32> to vector<16x1xi32>
            %parallel_loop3A_172 = vector.shape_cast %parallel_loop3A_171 : vector<16x1xi32> to vector<16xi32>
            %parallel_loop3A_173 = tpu.dynamic_gather %mul3A_151[%parallel_loop3A_172] in [0] : vector<16xf32>, vector<16xi32> -> vector<16xf32>
            %parallel_loop3A_174 = arith.constant 0 : i32
            %parallel_loop3A_175 = vector.broadcast %parallel_loop3A_174 : i32 to vector<16xi32>
            %parallel_loop3A_176 = arith.cmpi slt, %parallel_loop3A_163, %parallel_loop3A_175 : vector<16xi32>
            %parallel_loop3A_177 = arith.constant 16 : i32
            %parallel_loop3A_178 = vector.broadcast %parallel_loop3A_177 : i32 to vector<16xi32>
            %parallel_loop3A_179 = arith.addi %parallel_loop3A_163, %parallel_loop3A_178 : vector<16xi32>
            %parallel_loop3A_180 = arith.select %parallel_loop3A_176, %parallel_loop3A_179, %parallel_loop3A_163 : vector<16xi1>, vector<16xi32>
            %parallel_loop3A_181 = vector.shape_cast %parallel_loop3A_180 : vector<16xi32> to vector<16x1xi32>
            %parallel_loop3A_182 = vector.shape_cast %parallel_loop3A_181 : vector<16x1xi32> to vector<16xi32>
            %parallel_loop3A_183 = tpu.dynamic_gather %mul3A_152[%parallel_loop3A_182] in [0] : vector<16xf32>, vector<16xi32> -> vector<16xf32>
            %parallel_loop3A_184 = arith.constant 0 : i32
            %parallel_loop3A_185 = vector.broadcast %parallel_loop3A_184 : i32 to vector<16xi32>
            %parallel_loop3A_186 = arith.cmpi slt, %parallel_loop3A_163, %parallel_loop3A_185 : vector<16xi32>
            %parallel_loop3A_187 = arith.constant 16 : i32
            %parallel_loop3A_188 = vector.broadcast %parallel_loop3A_187 : i32 to vector<16xi32>
            %parallel_loop3A_189 = arith.addi %parallel_loop3A_163, %parallel_loop3A_188 : vector<16xi32>
            %parallel_loop3A_190 = arith.select %parallel_loop3A_186, %parallel_loop3A_189, %parallel_loop3A_163 : vector<16xi1>, vector<16xi32>
            %parallel_loop3A_191 = vector.shape_cast %parallel_loop3A_190 : vector<16xi32> to vector<16x1xi32>
            %parallel_loop3A_192 = vector.shape_cast %parallel_loop3A_191 : vector<16x1xi32> to vector<16xi32>
            %parallel_loop3A_193 = tpu.dynamic_gather %mul3A_153[%parallel_loop3A_192] in [0] : vector<16xf32>, vector<16xi32> -> vector<16xf32>
            %parallel_loop3A_194 = arith.index_cast %parallel_loop3A_159 : i32 to index
            %parallel_loop3A_195 = arith.constant 0 : index
            %parallel_loop3A_196 = tpu.vector_load %arg12[%parallel_loop3A_194, %parallel_loop3A_195] {strides = array<i32>} : memref<128x128xf32, #tpu.memory_space<vmem>>, vector<1x16xf32>,
            %parallel_loop3A_197 = vector.shape_cast %parallel_loop3A_196 : vector<1x16xf32> to vector<16xf32>
            %parallel_loop3A_198 = arith.mulf %parallel_loop3A_173, %parallel_loop3A_197 : vector<16xf32>
            %parallel_loop3A_199 = arith.index_cast %parallel_loop3A_159 : i32 to index
            %parallel_loop3A_200 = arith.constant 0 : index
            %parallel_loop3A_201 = tpu.vector_load %arg13[%parallel_loop3A_199, %parallel_loop3A_200] {strides = array<i32>} : memref<128x128xf32, #tpu.memory_space<vmem>>, vector<1x16xf32>,
            %parallel_loop3A_202 = vector.shape_cast %parallel_loop3A_201 : vector<1x16xf32> to vector<16xf32>
            %parallel_loop3A_203 = arith.mulf %parallel_loop3A_183, %parallel_loop3A_202 : vector<16xf32>
            %parallel_loop3A_204 = arith.addf %parallel_loop3A_198, %parallel_loop3A_203 : vector<16xf32>
            %parallel_loop3A_205 = arith.index_cast %parallel_loop3A_159 : i32 to index
            %parallel_loop3A_206 = arith.constant 0 : index
            %parallel_loop3A_207 = tpu.vector_load %arg14[%parallel_loop3A_205, %parallel_loop3A_206] {strides = array<i32>} : memref<128x128xf32, #tpu.memory_space<vmem>>, vector<1x16xf32>,
            %parallel_loop3A_208 = vector.shape_cast %parallel_loop3A_207 : vector<1x16xf32> to vector<16xf32>
            %parallel_loop3A_209 = arith.mulf %parallel_loop3A_193, %parallel_loop3A_208 : vector<16xf32>
            %parallel_loop3A_210 = arith.addf %parallel_loop3A_204, %parallel_loop3A_209 : vector<16xf32>
            %parallel_loop3A_211 = arith.index_cast %parallel_loop3A_159 : i32 to index
            %parallel_loop3A_212 = arith.constant 0 : index
            %parallel_loop3A_213 = tpu.vector_load %arg12[%parallel_loop3A_211, %parallel_loop3A_212] {strides = array<i32>} : memref<128x128xf32, #tpu.memory_space<vmem>>, vector<1x16xf32>,
            %parallel_loop3A_214 = vector.shape_cast %parallel_loop3A_213 : vector<1x16xf32> to vector<16xf32>
            %parallel_loop3A_215 = vector.shape_cast %parallel_loop3A_210 : vector<16xf32> to vector<1x16xf32>
            tpu.vector_store %arg12[%parallel_loop3A_211, %parallel_loop3A_212], %parallel_loop3A_215 {strides = array<i32>} : memref<128x128xf32, #tpu.memory_space<vmem>>, vector<1x16xf32>,
            %parallel_loop3A_216 = arith.index_cast %parallel_loop3A_159 : i32 to index
            %parallel_loop3A_217 = arith.constant 16 : index
            %parallel_loop3A_218 = tpu.vector_load %arg12[%parallel_loop3A_216, %parallel_loop3A_217] {strides = array<i32>} : memref<128x128xf32, #tpu.memory_space<vmem>>, vector<1x16xf32>,
            %parallel_loop3A_219 = vector.shape_cast %parallel_loop3A_218 : vector<1x16xf32> to vector<16xf32>
            %parallel_loop3A_220 = arith.mulf %parallel_loop3A_173, %parallel_loop3A_219 : vector<16xf32>
            %parallel_loop3A_221 = arith.index_cast %parallel_loop3A_159 : i32 to index
            %parallel_loop3A_222 = arith.constant 16 : index
            %parallel_loop3A_223 = tpu.vector_load %arg13[%parallel_loop3A_221, %parallel_loop3A_222] {strides = array<i32>} : memref<128x128xf32, #tpu.memory_space<vmem>>, vector<1x16xf32>,
            %parallel_loop3A_224 = vector.shape_cast %parallel_loop3A_223 : vector<1x16xf32> to vector<16xf32>
            %parallel_loop3A_225 = arith.mulf %parallel_loop3A_183, %parallel_loop3A_224 : vector<16xf32>
            %parallel_loop3A_226 = arith.addf %parallel_loop3A_220, %parallel_loop3A_225 : vector<16xf32>
            %parallel_loop3A_227 = arith.index_cast %parallel_loop3A_159 : i32 to index
            %parallel_loop3A_228 = arith.constant 16 : index
            %parallel_loop3A_229 = tpu.vector_load %arg14[%parallel_loop3A_227, %parallel_loop3A_228] {strides = array<i32>} : memref<128x128xf32, #tpu.memory_space<vmem>>, vector<1x16xf32>,
            %parallel_loop3A_230 = vector.shape_cast %parallel_loop3A_229 : vector<1x16xf32> to vector<16xf32>
            %parallel_loop3A_231 = arith.mulf %parallel_loop3A_193, %parallel_loop3A_230 : vector<16xf32>
            %parallel_loop3A_232 = arith.addf %parallel_loop3A_226, %parallel_loop3A_231 : vector<16xf32>
            %parallel_loop3A_233 = arith.index_cast %parallel_loop3A_159 : i32 to index
            %parallel_loop3A_234 = arith.constant 16 : index
            %parallel_loop3A_235 = tpu.vector_load %arg12[%parallel_loop3A_233, %parallel_loop3A_234] {strides = array<i32>} : memref<128x128xf32, #tpu.memory_space<vmem>>, vector<1x16xf32>,
            %parallel_loop3A_236 = vector.shape_cast %parallel_loop3A_235 : vector<1x16xf32> to vector<16xf32>
            %parallel_loop3A_237 = vector.shape_cast %parallel_loop3A_232 : vector<16xf32> to vector<1x16xf32>
            tpu.vector_store %arg12[%parallel_loop3A_233, %parallel_loop3A_234], %parallel_loop3A_237 {strides = array<i32>} : memref<128x128xf32, #tpu.memory_space<vmem>>, vector<1x16xf32>,
            %parallel_loop3A_238 = arith.index_cast %parallel_loop3A_159 : i32 to index
            %parallel_loop3A_239 = arith.constant 32 : index
            %parallel_loop3A_240 = tpu.vector_load %arg12[%parallel_loop3A_238, %parallel_loop3A_239] {strides = array<i32>} : memref<128x128xf32, #tpu.memory_space<vmem>>, vector<1x16xf32>,
            %parallel_loop3A_241 = vector.shape_cast %parallel_loop3A_240 : vector<1x16xf32> to vector<16xf32>
            %parallel_loop3A_242 = arith.mulf %parallel_loop3A_173, %parallel_loop3A_241 : vector<16xf32>
            %parallel_loop3A_243 = arith.index_cast %parallel_loop3A_159 : i32 to index
            %parallel_loop3A_244 = arith.constant 32 : index
            %parallel_loop3A_245 = tpu.vector_load %arg13[%parallel_loop3A_243, %parallel_loop3A_244] {strides = array<i32>} : memref<128x128xf32, #tpu.memory_space<vmem>>, vector<1x16xf32>,
            %parallel_loop3A_246 = vector.shape_cast %parallel_loop3A_245 : vector<1x16xf32> to vector<16xf32>
            %parallel_loop3A_247 = arith.mulf %parallel_loop3A_183, %parallel_loop3A_246 : vector<16xf32>
            %parallel_loop3A_248 = arith.addf %parallel_loop3A_242, %parallel_loop3A_247 : vector<16xf32>
            %parallel_loop3A_249 = arith.index_cast %parallel_loop3A_159 : i32 to index
            %parallel_loop3A_250 = arith.constant 32 : index
            %parallel_loop3A_251 = tpu.vector_load %arg14[%parallel_loop3A_249, %parallel_loop3A_250] {strides = array<i32>} : memref<128x128xf32, #tpu.memory_space<vmem>>, vector<1x16xf32>,
            %parallel_loop3A_252 = vector.shape_cast %parallel_loop3A_251 : vector<1x16xf32> to vector<16xf32>
            %parallel_loop3A_253 = arith.mulf %parallel_loop3A_193, %parallel_loop3A_252 : vector<16xf32>
            %parallel_loop3A_254 = arith.addf %parallel_loop3A_248, %parallel_loop3A_253 : vector<16xf32>
            %parallel_loop3A_255 = arith.index_cast %parallel_loop3A_159 : i32 to index
            %parallel_loop3A_256 = arith.constant 32 : index
            %parallel_loop3A_257 = tpu.vector_load %arg12[%parallel_loop3A_255, %parallel_loop3A_256] {strides = array<i32>} : memref<128x128xf32, #tpu.memory_space<vmem>>, vector<1x16xf32>,
            %parallel_loop3A_258 = vector.shape_cast %parallel_loop3A_257 : vector<1x16xf32> to vector<16xf32>
            %parallel_loop3A_259 = vector.shape_cast %parallel_loop3A_254 : vector<16xf32> to vector<1x16xf32>
            tpu.vector_store %arg12[%parallel_loop3A_255, %parallel_loop3A_256], %parallel_loop3A_259 {strides = array<i32>} : memref<128x128xf32, #tpu.memory_space<vmem>>, vector<1x16xf32>,
            %parallel_loop3A_260 = arith.index_cast %parallel_loop3A_159 : i32 to index
            %parallel_loop3A_261 = arith.constant 48 : index
            %parallel_loop3A_262 = tpu.vector_load %arg12[%parallel_loop3A_260, %parallel_loop3A_261] {strides = array<i32>} : memref<128x128xf32, #tpu.memory_space<vmem>>, vector<1x16xf32>,
            %parallel_loop3A_263 = vector.shape_cast %parallel_loop3A_262 : vector<1x16xf32> to vector<16xf32>
            %parallel_loop3A_264 = arith.mulf %parallel_loop3A_173, %parallel_loop3A_263 : vector<16xf32>
            %parallel_loop3A_265 = arith.index_cast %parallel_loop3A_159 : i32 to index
            %parallel_loop3A_266 = arith.constant 48 : index
            %parallel_loop3A_267 = tpu.vector_load %arg13[%parallel_loop3A_265, %parallel_loop3A_266] {strides = array<i32>} : memref<128x128xf32, #tpu.memory_space<vmem>>, vector<1x16xf32>,
            %parallel_loop3A_268 = vector.shape_cast %parallel_loop3A_267 : vector<1x16xf32> to vector<16xf32>
            %parallel_loop3A_269 = arith.mulf %parallel_loop3A_183, %parallel_loop3A_268 : vector<16xf32>
            %parallel_loop3A_270 = arith.addf %parallel_loop3A_264, %parallel_loop3A_269 : vector<16xf32>
            %parallel_loop3A_271 = arith.index_cast %parallel_loop3A_159 : i32 to index
            %parallel_loop3A_272 = arith.constant 48 : index
            %parallel_loop3A_273 = tpu.vector_load %arg14[%parallel_loop3A_271, %parallel_loop3A_272] {strides = array<i32>} : memref<128x128xf32, #tpu.memory_space<vmem>>, vector<1x16xf32>,
            %parallel_loop3A_274 = vector.shape_cast %parallel_loop3A_273 : vector<1x16xf32> to vector<16xf32>
            %parallel_loop3A_275 = arith.mulf %parallel_loop3A_193, %parallel_loop3A_274 : vector<16xf32>
            %parallel_loop3A_276 = arith.addf %parallel_loop3A_270, %parallel_loop3A_275 : vector<16xf32>
            %parallel_loop3A_277 = arith.index_cast %parallel_loop3A_159 : i32 to index
            %parallel_loop3A_278 = arith.constant 48 : index
            %parallel_loop3A_279 = tpu.vector_load %arg12[%parallel_loop3A_277, %parallel_loop3A_278] {strides = array<i32>} : memref<128x128xf32, #tpu.memory_space<vmem>>, vector<1x16xf32>,
            %parallel_loop3A_280 = vector.shape_cast %parallel_loop3A_279 : vector<1x16xf32> to vector<16xf32>
            %parallel_loop3A_281 = vector.shape_cast %parallel_loop3A_276 : vector<16xf32> to vector<1x16xf32>
            tpu.vector_store %arg12[%parallel_loop3A_277, %parallel_loop3A_278], %parallel_loop3A_281 {strides = array<i32>} : memref<128x128xf32, #tpu.memory_space<vmem>>, vector<1x16xf32>,
            %parallel_loop3A_282 = arith.index_cast %parallel_loop3A_159 : i32 to index
            %parallel_loop3A_283 = arith.constant 64 : index
            %parallel_loop3A_284 = tpu.vector_load %arg12[%parallel_loop3A_282, %parallel_loop3A_283] {strides = array<i32>} : memref<128x128xf32, #tpu.memory_space<vmem>>, vector<1x16xf32>,
            %parallel_loop3A_285 = vector.shape_cast %parallel_loop3A_284 : vector<1x16xf32> to vector<16xf32>
            %parallel_loop3A_286 = arith.mulf %parallel_loop3A_173, %parallel_loop3A_285 : vector<16xf32>
            %parallel_loop3A_287 = arith.index_cast %parallel_loop3A_159 : i32 to index
            %parallel_loop3A_288 = arith.constant 64 : index
            %parallel_loop3A_289 = tpu.vector_load %arg13[%parallel_loop3A_287, %parallel_loop3A_288] {strides = array<i32>} : memref<128x128xf32, #tpu.memory_space<vmem>>, vector<1x16xf32>,
            %parallel_loop3A_290 = vector.shape_cast %parallel_loop3A_289 : vector<1x16xf32> to vector<16xf32>
            %parallel_loop3A_291 = arith.mulf %parallel_loop3A_183, %parallel_loop3A_290 : vector<16xf32>
            %parallel_loop3A_292 = arith.addf %parallel_loop3A_286, %parallel_loop3A_291 : vector<16xf32>
            %parallel_loop3A_293 = arith.index_cast %parallel_loop3A_159 : i32 to index
            %parallel_loop3A_294 = arith.constant 64 : index
            %parallel_loop3A_295 = tpu.vector_load %arg14[%parallel_loop3A_293, %parallel_loop3A_294] {strides = array<i32>} : memref<128x128xf32, #tpu.memory_space<vmem>>, vector<1x16xf32>,
            %parallel_loop3A_296 = vector.shape_cast %parallel_loop3A_295 : vector<1x16xf32> to vector<16xf32>
            %parallel_loop3A_297 = arith.mulf %parallel_loop3A_193, %parallel_loop3A_296 : vector<16xf32>
            %parallel_loop3A_298 = arith.addf %parallel_loop3A_292, %parallel_loop3A_297 : vector<16xf32>
            %parallel_loop3A_299 = arith.index_cast %parallel_loop3A_159 : i32 to index
            %parallel_loop3A_300 = arith.constant 64 : index
            %parallel_loop3A_301 = tpu.vector_load %arg12[%parallel_loop3A_299, %parallel_loop3A_300] {strides = array<i32>} : memref<128x128xf32, #tpu.memory_space<vmem>>, vector<1x16xf32>,
            %parallel_loop3A_302 = vector.shape_cast %parallel_loop3A_301 : vector<1x16xf32> to vector<16xf32>
            %parallel_loop3A_303 = vector.shape_cast %parallel_loop3A_298 : vector<16xf32> to vector<1x16xf32>
            tpu.vector_store %arg12[%parallel_loop3A_299, %parallel_loop3A_300], %parallel_loop3A_303 {strides = array<i32>} : memref<128x128xf32, #tpu.memory_space<vmem>>, vector<1x16xf32>,
            %parallel_loop3A_304 = arith.index_cast %parallel_loop3A_159 : i32 to index
            %parallel_loop3A_305 = arith.constant 80 : index
            %parallel_loop3A_306 = tpu.vector_load %arg12[%parallel_loop3A_304, %parallel_loop3A_305] {strides = array<i32>} : memref<128x128xf32, #tpu.memory_space<vmem>>, vector<1x16xf32>,
            %parallel_loop3A_307 = vector.shape_cast %parallel_loop3A_306 : vector<1x16xf32> to vector<16xf32>
            %parallel_loop3A_308 = arith.mulf %parallel_loop3A_173, %parallel_loop3A_307 : vector<16xf32>
            %parallel_loop3A_309 = arith.index_cast %parallel_loop3A_159 : i32 to index
            %parallel_loop3A_310 = arith.constant 80 : index
            %parallel_loop3A_311 = tpu.vector_load %arg13[%parallel_loop3A_309, %parallel_loop3A_310] {strides = array<i32>} : memref<128x128xf32, #tpu.memory_space<vmem>>, vector<1x16xf32>,
            %parallel_loop3A_312 = vector.shape_cast %parallel_loop3A_311 : vector<1x16xf32> to vector<16xf32>
            %parallel_loop3A_313 = arith.mulf %parallel_loop3A_183, %parallel_loop3A_312 : vector<16xf32>
            %parallel_loop3A_314 = arith.addf %parallel_loop3A_308, %parallel_loop3A_313 : vector<16xf32>
            %parallel_loop3A_315 = arith.index_cast %parallel_loop3A_159 : i32 to index
            %parallel_loop3A_316 = arith.constant 80 : index
            %parallel_loop3A_317 = tpu.vector_load %arg14[%parallel_loop3A_315, %parallel_loop3A_316] {strides = array<i32>} : memref<128x128xf32, #tpu.memory_space<vmem>>, vector<1x16xf32>,
            %parallel_loop3A_318 = vector.shape_cast %parallel_loop3A_317 : vector<1x16xf32> to vector<16xf32>
            %parallel_loop3A_319 = arith.mulf %parallel_loop3A_193, %parallel_loop3A_318 : vector<16xf32>
            %parallel_loop3A_320 = arith.addf %parallel_loop3A_314, %parallel_loop3A_319 : vector<16xf32>
            %parallel_loop3A_321 = arith.index_cast %parallel_loop3A_159 : i32 to index
            %parallel_loop3A_322 = arith.constant 80 : index
            %parallel_loop3A_323 = tpu.vector_load %arg12[%parallel_loop3A_321, %parallel_loop3A_322] {strides = array<i32>} : memref<128x128xf32, #tpu.memory_space<vmem>>, vector<1x16xf32>,
            %parallel_loop3A_324 = vector.shape_cast %parallel_loop3A_323 : vector<1x16xf32> to vector<16xf32>
            %parallel_loop3A_325 = vector.shape_cast %parallel_loop3A_320 : vector<16xf32> to vector<1x16xf32>
            tpu.vector_store %arg12[%parallel_loop3A_321, %parallel_loop3A_322], %parallel_loop3A_325 {strides = array<i32>} : memref<128x128xf32, #tpu.memory_space<vmem>>, vector<1x16xf32>,
            %parallel_loop3A_326 = arith.index_cast %parallel_loop3A_159 : i32 to index
            %parallel_loop3A_327 = arith.constant 96 : index
            %parallel_loop3A_328 = tpu.vector_load %arg12[%parallel_loop3A_326, %parallel_loop3A_327] {strides = array<i32>} : memref<128x128xf32, #tpu.memory_space<vmem>>, vector<1x16xf32>,
            %parallel_loop3A_329 = vector.shape_cast %parallel_loop3A_328 : vector<1x16xf32> to vector<16xf32>
            %parallel_loop3A_330 = arith.mulf %parallel_loop3A_173, %parallel_loop3A_329 : vector<16xf32>
            %parallel_loop3A_331 = arith.index_cast %parallel_loop3A_159 : i32 to index
            %parallel_loop3A_332 = arith.constant 96 : index
            %parallel_loop3A_333 = tpu.vector_load %arg13[%parallel_loop3A_331, %parallel_loop3A_332] {strides = array<i32>} : memref<128x128xf32, #tpu.memory_space<vmem>>, vector<1x16xf32>,
            %parallel_loop3A_334 = vector.shape_cast %parallel_loop3A_333 : vector<1x16xf32> to vector<16xf32>
            %parallel_loop3A_335 = arith.mulf %parallel_loop3A_183, %parallel_loop3A_334 : vector<16xf32>
            %parallel_loop3A_336 = arith.addf %parallel_loop3A_330, %parallel_loop3A_335 : vector<16xf32>
            %parallel_loop3A_337 = arith.index_cast %parallel_loop3A_159 : i32 to index
            %parallel_loop3A_338 = arith.constant 96 : index
            %parallel_loop3A_339 = tpu.vector_load %arg14[%parallel_loop3A_337, %parallel_loop3A_338] {strides = array<i32>} : memref<128x128xf32, #tpu.memory_space<vmem>>, vector<1x16xf32>,
            %parallel_loop3A_340 = vector.shape_cast %parallel_loop3A_339 : vector<1x16xf32> to vector<16xf32>
            %parallel_loop3A_341 = arith.mulf %parallel_loop3A_193, %parallel_loop3A_340 : vector<16xf32>
            %parallel_loop3A_342 = arith.addf %parallel_loop3A_336, %parallel_loop3A_341 : vector<16xf32>
            %parallel_loop3A_343 = arith.index_cast %parallel_loop3A_159 : i32 to index
            %parallel_loop3A_344 = arith.constant 96 : index
            %parallel_loop3A_345 = tpu.vector_load %arg12[%parallel_loop3A_343, %parallel_loop3A_344] {strides = array<i32>} : memref<128x128xf32, #tpu.memory_space<vmem>>, vector<1x16xf32>,
            %parallel_loop3A_346 = vector.shape_cast %parallel_loop3A_345 : vector<1x16xf32> to vector<16xf32>
            %parallel_loop3A_347 = vector.shape_cast %parallel_loop3A_342 : vector<16xf32> to vector<1x16xf32>
            tpu.vector_store %arg12[%parallel_loop3A_343, %parallel_loop3A_344], %parallel_loop3A_347 {strides = array<i32>} : memref<128x128xf32, #tpu.memory_space<vmem>>, vector<1x16xf32>,
            %parallel_loop3A_348 = arith.index_cast %parallel_loop3A_159 : i32 to index
            %parallel_loop3A_349 = arith.constant 112 : index
            %parallel_loop3A_350 = tpu.vector_load %arg12[%parallel_loop3A_348, %parallel_loop3A_349] {strides = array<i32>} : memref<128x128xf32, #tpu.memory_space<vmem>>, vector<1x16xf32>,
            %parallel_loop3A_351 = vector.shape_cast %parallel_loop3A_350 : vector<1x16xf32> to vector<16xf32>
            %parallel_loop3A_352 = arith.mulf %parallel_loop3A_173, %parallel_loop3A_351 : vector<16xf32>
            %parallel_loop3A_353 = arith.index_cast %parallel_loop3A_159 : i32 to index
            %parallel_loop3A_354 = arith.constant 112 : index
            %parallel_loop3A_355 = tpu.vector_load %arg13[%parallel_loop3A_353, %parallel_loop3A_354] {strides = array<i32>} : memref<128x128xf32, #tpu.memory_space<vmem>>, vector<1x16xf32>,
            %parallel_loop3A_356 = vector.shape_cast %parallel_loop3A_355 : vector<1x16xf32> to vector<16xf32>
            %parallel_loop3A_357 = arith.mulf %parallel_loop3A_183, %parallel_loop3A_356 : vector<16xf32>
            %parallel_loop3A_358 = arith.addf %parallel_loop3A_352, %parallel_loop3A_357 : vector<16xf32>
            %parallel_loop3A_359 = arith.index_cast %parallel_loop3A_159 : i32 to index
            %parallel_loop3A_360 = arith.constant 112 : index
            %parallel_loop3A_361 = tpu.vector_load %arg14[%parallel_loop3A_359, %parallel_loop3A_360] {strides = array<i32>} : memref<128x128xf32, #tpu.memory_space<vmem>>, vector<1x16xf32>,
            %parallel_loop3A_362 = vector.shape_cast %parallel_loop3A_361 : vector<1x16xf32> to vector<16xf32>
            %parallel_loop3A_363 = arith.mulf %parallel_loop3A_193, %parallel_loop3A_362 : vector<16xf32>
            %parallel_loop3A_364 = arith.addf %parallel_loop3A_358, %parallel_loop3A_363 : vector<16xf32>
            %parallel_loop3A_365 = arith.index_cast %parallel_loop3A_159 : i32 to index
            %parallel_loop3A_366 = arith.constant 112 : index
            %parallel_loop3A_367 = tpu.vector_load %arg12[%parallel_loop3A_365, %parallel_loop3A_366] {strides = array<i32>} : memref<128x128xf32, #tpu.memory_space<vmem>>, vector<1x16xf32>,
            %parallel_loop3A_368 = vector.shape_cast %parallel_loop3A_367 : vector<1x16xf32> to vector<16xf32>
            %parallel_loop3A_369 = vector.shape_cast %parallel_loop3A_364 : vector<16xf32> to vector<1x16xf32>
            tpu.vector_store %arg12[%parallel_loop3A_365, %parallel_loop3A_366], %parallel_loop3A_369 {strides = array<i32>} : memref<128x128xf32, #tpu.memory_space<vmem>>, vector<1x16xf32>,
          } {sc.loop_unroll_factor = 4 : i64, sc.parallel_access}
        }
        %scan3A_93 = arith.constant 8 : i32
        %dma_start3A = arith.constant 0 : i32
        %dma_start3A_94 = tpu.memref_slice %arg7[%mul3A_61, %dma_start3A] : memref<160000x128xf32, #tpu.memory_space<hbm>> -> memref<128x128xf32, #tpu.memory_space<hbm>>
        %dma_start3A_95 = arith.constant 0 : i32
        %dma_start3A_96 = tpu.memref_slice %arg7[%mul3A_61, %dma_start3A_95] : memref<160000x128xf32, #tpu.memory_space<hbm>> -> memref<128x128xf32, #tpu.memory_space<hbm>>
        tpu.enqueue_dma source(%arg12 : memref<128x128xf32, #tpu.memory_space<vmem>>) target(%dma_start3A_96 : memref<128x128xf32, #tpu.memory_space<hbm>>) target_semaphore(%arg24 : memref<!tpu.dma_semaphore, #tpu.memory_space<semaphore_mem>>)
      } else {
      }
      %add3A_47 = arith.constant 2 : i32
      %add3A_48 = arith.addi %mul3A_36, %add3A_47 : i32
      %lt3A_49 = arith.cmpi slt, %add3A_48, %add3A_3 : i32
      %convert_element_type3A_50 = arith.extui %lt3A_49 : i1 to i32
      %cond3A_51 = arith.constant 0 : i32
      %cond3A_52 = arith.cmpi ne, %convert_element_type3A_50, %cond3A_51 : i32
      scf.if %cond3A_52 {
        %add3A_59 = arith.addi %add3A_7, %add3A_48 : i32
        %mul3A_60 = arith.constant 128 : i32
        %mul3A_61 = arith.muli %add3A_59, %mul3A_60 : i32
        %mul3A_62 = arith.constant 128 : i32
        %mul3A_63 = arith.muli %add3A_48, %mul3A_62 : i32
        %dma_start3A = tpu.memref_slice %arg9[%mul3A_63] : memref<5120xi32, #tpu.memory_space<vmem>> -> memref<128xi32, #tpu.memory_space<vmem>>
        %dma_start3A_64 = arith.constant 0 : i32
        %dma_start3A_65 = arith.constant 0 : i32
        %dma_start3A_66 = tpu.memref_slice %arg4[%dma_start3A_64, %dma_start3A_65] : memref<160000x128xf32, #tpu.memory_space<hbm>> -> memref<160000x128xf32, #tpu.memory_space<hbm>>
        tpu.enqueue_indirect_dma source(%dma_start3A_66 : memref<160000x128xf32, #tpu.memory_space<hbm>>) target(%arg13 : memref<128x128xf32, #tpu.memory_space<vmem>>) offsets(%dma_start3A : memref<128xi32, #tpu.memory_space<vmem>>) semaphore(%arg22 : memref<!tpu.dma_semaphore, #tpu.memory_space<semaphore_mem>>)
        %mul3A_67 = arith.constant 128 : i32
        %mul3A_68 = arith.muli %add3A_48, %mul3A_67 : i32
        %dma_start3A_69 = tpu.memref_slice %arg8[%mul3A_68] : memref<5120xi32, #tpu.memory_space<vmem>> -> memref<128xi32, #tpu.memory_space<vmem>>
        %dma_start3A_70 = arith.constant 0 : i32
        %dma_start3A_71 = tpu.memref_slice %arg5[%dma_start3A_70] : memref<160000xf32, #tpu.memory_space<hbm>> -> memref<160000xf32, #tpu.memory_space<hbm>>
        tpu.enqueue_indirect_dma source(%dma_start3A_71 : memref<160000xf32, #tpu.memory_space<hbm>>) target(%arg15 : memref<128xf32, #tpu.memory_space<vmem>>) offsets(%dma_start3A_69 : memref<128xi32, #tpu.memory_space<vmem>>) semaphore(%arg22 : memref<!tpu.dma_semaphore, #tpu.memory_space<semaphore_mem>>)
        %mul3A_72 = arith.constant 128 : i32
        %mul3A_73 = arith.muli %add3A_48, %mul3A_72 : i32
        %dma_start3A_74 = tpu.memref_slice %arg9[%mul3A_73] : memref<5120xi32, #tpu.memory_space<vmem>> -> memref<128xi32, #tpu.memory_space<vmem>>
        %dma_start3A_75 = arith.constant 0 : i32
        %dma_start3A_76 = tpu.memref_slice %arg5[%dma_start3A_75] : memref<160000xf32, #tpu.memory_space<hbm>> -> memref<160000xf32, #tpu.memory_space<hbm>>
        tpu.enqueue_indirect_dma source(%dma_start3A_76 : memref<160000xf32, #tpu.memory_space<hbm>>) target(%arg16 : memref<128xf32, #tpu.memory_space<vmem>>) offsets(%dma_start3A_74 : memref<128xi32, #tpu.memory_space<vmem>>) semaphore(%arg22 : memref<!tpu.dma_semaphore, #tpu.memory_space<semaphore_mem>>)
        %dma_start3A_77 = arith.constant 0 : i32
        %dma_start3A_78 = tpu.memref_slice %arg4[%mul3A_61, %dma_start3A_77] : memref<160000x128xf32, #tpu.memory_space<hbm>> -> memref<128x128xf32, #tpu.memory_space<hbm>>
        %dma_start3A_79 = arith.constant 0 : i32
        %dma_start3A_80 = tpu.memref_slice %arg4[%mul3A_61, %dma_start3A_79] : memref<160000x128xf32, #tpu.memory_space<hbm>> -> memref<128x128xf32, #tpu.memory_space<hbm>>
        tpu.enqueue_dma source(%dma_start3A_80 : memref<128x128xf32, #tpu.memory_space<hbm>>) target(%arg14 : memref<128x128xf32, #tpu.memory_space<vmem>>) target_semaphore(%arg22 : memref<!tpu.dma_semaphore, #tpu.memory_space<semaphore_mem>>)
        %ge3A = arith.constant 2 : i32
        %ge3A_81 = arith.cmpi sge, %add3A_48, %ge3A : i32
        %convert_element_type3A_82 = arith.extui %ge3A_81 : i1 to i32
        %cond3A_83 = arith.constant 0 : i32
        %cond3A_84 = arith.cmpi ne, %convert_element_type3A_82, %cond3A_83 : i32
        scf.if %cond3A_84 {
          %dma_wait3A_91 = arith.constant 0 : i32
          %dma_wait3A_92 = arith.constant 0 : i32
          %dma_wait3A_93 = tpu.memref_slice %arg7[%dma_wait3A_91, %dma_wait3A_92] : memref<160000x128xf32, #tpu.memory_space<hbm>> -> memref<128x128xf32, #tpu.memory_space<hbm>>
          %dma_wait3A_94 = arith.constant 0 : i32
          %dma_wait3A_95 = arith.constant 0 : i32
          %dma_wait3A_96 = tpu.memref_slice %arg7[%dma_wait3A_94, %dma_wait3A_95] : memref<160000x128xf32, #tpu.memory_space<hbm>> -> memref<128x128xf32, #tpu.memory_space<hbm>>
          tpu.wait_dma2 semaphore(%arg24 : memref<!tpu.dma_semaphore, #tpu.memory_space<semaphore_mem>>) src(%arg12 : memref<128x128xf32, #tpu.memory_space<vmem>>) dst(%dma_wait3A_96 : memref<128x128xf32, #tpu.memory_space<hbm>>)
        } else {
        }
        %mul3A_85 = arith.constant 128 : i32
        %mul3A_86 = arith.muli %add3A_48, %mul3A_85 : i32
        %dma_start3A_87 = tpu.memref_slice %arg8[%mul3A_86] : memref<5120xi32, #tpu.memory_space<vmem>> -> memref<128xi32, #tpu.memory_space<vmem>>
        %dma_start3A_88 = arith.constant 0 : i32
        %dma_start3A_89 = arith.constant 0 : i32
        %dma_start3A_90 = tpu.memref_slice %arg4[%dma_start3A_88, %dma_start3A_89] : memref<160000x128xf32, #tpu.memory_space<hbm>> -> memref<160000x128xf32, #tpu.memory_space<hbm>>
        tpu.enqueue_indirect_dma source(%dma_start3A_90 : memref<160000x128xf32, #tpu.memory_space<hbm>>) target(%arg12 : memref<128x128xf32, #tpu.memory_space<vmem>>) offsets(%dma_start3A_87 : memref<128xi32, #tpu.memory_space<vmem>>) semaphore(%arg22 : memref<!tpu.dma_semaphore, #tpu.memory_space<semaphore_mem>>)
      } else {
      }
      %add3A_53 = arith.constant 1 : i32
      %add3A_54 = arith.addi %mul3A_36, %add3A_53 : i32
      %lt3A_55 = arith.cmpi slt, %add3A_54, %add3A_3 : i32
      %convert_element_type3A_56 = arith.extui %lt3A_55 : i1 to i32
      %cond3A_57 = arith.constant 0 : i32
      %cond3A_58 = arith.cmpi ne, %convert_element_type3A_56, %cond3A_57 : i32
      scf.if %cond3A_58 {
        %add3A_59 = arith.addi %add3A_7, %add3A_54 : i32
        %mul3A_60 = arith.constant 128 : i32
        %mul3A_61 = arith.muli %add3A_59, %mul3A_60 : i32
        %mul3A_62 = arith.constant 128 : i32
        %mul3A_63 = arith.muli %add3A_54, %mul3A_62 : i32
        %dma_wait3A_64 = tpu.memref_slice %arg8[%mul3A_63] : memref<5120xi32, #tpu.memory_space<vmem>> -> memref<128xi32, #tpu.memory_space<vmem>>
        %dma_wait3A_65 = arith.constant 0 : i32
        %dma_wait3A_66 = arith.constant 0 : i32
        %dma_wait3A_67 = tpu.memref_slice %arg4[%dma_wait3A_65, %dma_wait3A_66] : memref<160000x128xf32, #tpu.memory_space<hbm>> -> memref<160000x128xf32, #tpu.memory_space<hbm>>
        tpu.wait_indirect_dma semaphore(%arg23 : memref<!tpu.dma_semaphore, #tpu.memory_space<semaphore_mem>>) src(%dma_wait3A_67 : memref<160000x128xf32, #tpu.memory_space<hbm>>) dst(%arg17 : memref<128x128xf32, #tpu.memory_space<vmem>>)
        %mul3A_68 = arith.constant 128 : i32
        %mul3A_69 = arith.muli %add3A_54, %mul3A_68 : i32
        %dma_wait3A_70 = tpu.memref_slice %arg9[%mul3A_69] : memref<5120xi32, #tpu.memory_space<vmem>> -> memref<128xi32, #tpu.memory_space<vmem>>
        %dma_wait3A_71 = arith.constant 0 : i32
        %dma_wait3A_72 = arith.constant 0 : i32
        %dma_wait3A_73 = tpu.memref_slice %arg4[%dma_wait3A_71, %dma_wait3A_72] : memref<160000x128xf32, #tpu.memory_space<hbm>> -> memref<160000x128xf32, #tpu.memory_space<hbm>>
        tpu.wait_indirect_dma semaphore(%arg23 : memref<!tpu.dma_semaphore, #tpu.memory_space<semaphore_mem>>) src(%dma_wait3A_73 : memref<160000x128xf32, #tpu.memory_space<hbm>>) dst(%arg18 : memref<128x128xf32, #tpu.memory_space<vmem>>)
        %mul3A_74 = arith.constant 128 : i32
        %mul3A_75 = arith.muli %add3A_54, %mul3A_74 : i32
        %dma_wait3A_76 = tpu.memref_slice %arg8[%mul3A_75] : memref<5120xi32, #tpu.memory_space<vmem>> -> memref<128xi32, #tpu.memory_space<vmem>>
        %dma_wait3A_77 = arith.constant 0 : i32
        %dma_wait3A_78 = tpu.memref_slice %arg5[%dma_wait3A_77] : memref<160000xf32, #tpu.memory_space<hbm>> -> memref<160000xf32, #tpu.memory_space<hbm>>
        tpu.wait_indirect_dma semaphore(%arg23 : memref<!tpu.dma_semaphore, #tpu.memory_space<semaphore_mem>>) src(%dma_wait3A_78 : memref<160000xf32, #tpu.memory_space<hbm>>) dst(%arg20 : memref<128xf32, #tpu.memory_space<vmem>>)
        %mul3A_79 = arith.constant 128 : i32
        %mul3A_80 = arith.muli %add3A_54, %mul3A_79 : i32
        %dma_wait3A_81 = tpu.memref_slice %arg9[%mul3A_80] : memref<5120xi32, #tpu.memory_space<vmem>> -> memref<128xi32, #tpu.memory_space<vmem>>
        %dma_wait3A_82 = arith.constant 0 : i32
        %dma_wait3A_83 = tpu.memref_slice %arg5[%dma_wait3A_82] : memref<160000xf32, #tpu.memory_space<hbm>> -> memref<160000xf32, #tpu.memory_space<hbm>>
        tpu.wait_indirect_dma semaphore(%arg23 : memref<!tpu.dma_semaphore, #tpu.memory_space<semaphore_mem>>) src(%dma_wait3A_83 : memref<160000xf32, #tpu.memory_space<hbm>>) dst(%arg21 : memref<128xf32, #tpu.memory_space<vmem>>)
        %dma_wait3A_84 = arith.constant 0 : i32
        %dma_wait3A_85 = tpu.memref_slice %arg4[%mul3A_61, %dma_wait3A_84] : memref<160000x128xf32, #tpu.memory_space<hbm>> -> memref<128x128xf32, #tpu.memory_space<hbm>>
        %dma_wait3A_86 = arith.constant 0 : i32
        %dma_wait3A_87 = tpu.memref_slice %arg4[%mul3A_61, %dma_wait3A_86] : memref<160000x128xf32, #tpu.memory_space<hbm>> -> memref<128x128xf32, #tpu.memory_space<hbm>>
        tpu.wait_dma2 semaphore(%arg23 : memref<!tpu.dma_semaphore, #tpu.memory_space<semaphore_mem>>) src(%dma_wait3A_87 : memref<128x128xf32, #tpu.memory_space<hbm>>) dst(%arg19 : memref<128x128xf32, #tpu.memory_space<vmem>>)
        %scan3A_88 = arith.constant 0 : i32
        %scan3A_89 = arith.constant 0 : i32
        %scan3A_90 = arith.constant 8 : i32
        %scan3A_91 = arith.addi %scan3A_89, %scan3A_90 : i32
        %scan3A_92 = arith.constant 1 : i32
        scf.for %scan3A_97 = %scan3A_89 to %scan3A_91 step %scan3A_92  : i32 {
          %mul3A_98 = arith.constant 16 : i32
          %mul3A_99 = arith.muli %scan3A_97, %mul3A_98 : i32
          %get3A = arith.index_cast %mul3A_99 : i32 to index
          %get3A_100 = tpu.vector_load %arg20[%get3A] {strides = array<i32>} : memref<128xf32, #tpu.memory_space<vmem>>, vector<16xf32>,
          %get3A_101 = vector.shape_cast %get3A_100 : vector<16xf32> to vector<16xf32>
          %get3A_102 = arith.index_cast %mul3A_99 : i32 to index
          %get3A_103 = tpu.vector_load %arg21[%get3A_102] {strides = array<i32>} : memref<128xf32, #tpu.memory_space<vmem>>, vector<16xf32>,
          %get3A_104 = vector.shape_cast %get3A_103 : vector<16xf32> to vector<16xf32>
          %mul3A_105 = arith.constant 128 : i32
          %mul3A_106 = arith.muli %add3A_54, %mul3A_105 : i32
          %mul3A_107 = arith.constant 16 : i32
          %mul3A_108 = arith.muli %scan3A_97, %mul3A_107 : i32
          %add3A_109 = arith.addi %mul3A_106, %mul3A_108 : i32
          %get3A_110 = arith.index_cast %add3A_109 : i32 to index
          %get3A_111 = tpu.vector_load %arg10[%get3A_110] {strides = array<i32>} : memref<5120xf32, #tpu.memory_space<vmem>>, vector<16xf32>,
          %get3A_112 = vector.shape_cast %get3A_111 : vector<16xf32> to vector<16xf32>
          %get3A_113 = arith.index_cast %add3A_109 : i32 to index
          %get3A_114 = tpu.vector_load %arg11[%get3A_113] {strides = array<i32>} : memref<5120xf32, #tpu.memory_space<vmem>>, vector<16xf32>,
          %get3A_115 = vector.shape_cast %get3A_114 : vector<16xf32> to vector<16xf32>
          %add3A_116 = arith.addf %get3A_101, %get3A_115 : vector<16xf32>
          %add3A_117 = arith.addf %get3A_104, %get3A_115 : vector<16xf32>
          %add3A_118 = arith.addf %get3A_112, %get3A_115 : vector<16xf32>
          %gt3A_119 = arith.constant 0.000000e+00 : f32
          %gt3A_120 = vector.broadcast %gt3A_119 : f32 to vector<16xf32>
          %gt3A_121 = arith.cmpf ogt, %add3A_116, %gt3A_120 : vector<16xf32>
          %mul3A_122 = arith.constant 2.000000e-01 : f32
          %mul3A_123 = vector.broadcast %mul3A_122 : f32 to vector<16xf32>
          %mul3A_124 = arith.mulf %mul3A_123, %add3A_116 : vector<16xf32>
          %select_n3A = arith.select %gt3A_121, %add3A_116, %mul3A_124 : vector<16xi1>, vector<16xf32>
          %gt3A_125 = arith.constant 0.000000e+00 : f32
          %gt3A_126 = vector.broadcast %gt3A_125 : f32 to vector<16xf32>
          %gt3A_127 = arith.cmpf ogt, %add3A_117, %gt3A_126 : vector<16xf32>
          %mul3A_128 = arith.constant 2.000000e-01 : f32
          %mul3A_129 = vector.broadcast %mul3A_128 : f32 to vector<16xf32>
          %mul3A_130 = arith.mulf %mul3A_129, %add3A_117 : vector<16xf32>
          %select_n3A_131 = arith.select %gt3A_127, %add3A_117, %mul3A_130 : vector<16xi1>, vector<16xf32>
          %gt3A_132 = arith.constant 0.000000e+00 : f32
          %gt3A_133 = vector.broadcast %gt3A_132 : f32 to vector<16xf32>
          %gt3A_134 = arith.cmpf ogt, %add3A_118, %gt3A_133 : vector<16xf32>
          %mul3A_135 = arith.constant 2.000000e-01 : f32
          %mul3A_136 = vector.broadcast %mul3A_135 : f32 to vector<16xf32>
          %mul3A_137 = arith.mulf %mul3A_136, %add3A_118 : vector<16xf32>
          %select_n3A_138 = arith.select %gt3A_134, %add3A_118, %mul3A_137 : vector<16xi1>, vector<16xf32>
          %max3A = arith.maximumf %select_n3A_131, %select_n3A_138 : vector<16xf32>
          %max3A_139 = arith.maximumf %select_n3A, %max3A : vector<16xf32>
          %sub3A = arith.subf %select_n3A, %max3A_139 : vector<16xf32>
          %exp3A = math.exp %sub3A : vector<16xf32>
          %sub3A_140 = arith.subf %select_n3A_131, %max3A_139 : vector<16xf32>
          %exp3A_141 = math.exp %sub3A_140 : vector<16xf32>
          %sub3A_142 = arith.subf %select_n3A_138, %max3A_139 : vector<16xf32>
          %exp3A_143 = math.exp %sub3A_142 : vector<16xf32>
          %add3A_144 = arith.addf %exp3A, %exp3A_141 : vector<16xf32>
          %add3A_145 = arith.addf %add3A_144, %exp3A_143 : vector<16xf32>
          %add3A_146 = arith.constant 1.000000e-16 : f32
          %add3A_147 = vector.broadcast %add3A_146 : f32 to vector<16xf32>
          %add3A_148 = arith.addf %add3A_145, %add3A_147 : vector<16xf32>
          %div3A = arith.constant 1.000000e+00 : f32
          %div3A_149 = vector.broadcast %div3A : f32 to vector<16xf32>
          %div3A_150 = arith.divf %div3A_149, %add3A_148 : vector<16xf32>
          %mul3A_151 = arith.mulf %exp3A, %div3A_150 : vector<16xf32>
          %mul3A_152 = arith.mulf %exp3A_141, %div3A_150 : vector<16xf32>
          %mul3A_153 = arith.mulf %exp3A_143, %div3A_150 : vector<16xf32>
          %parallel_loop3A = arith.constant 0 : i32
          %parallel_loop3A_154 = arith.constant 16 : i32
          %parallel_loop3A_155 = arith.constant 1 : i32
          scf.for %parallel_loop3A_156 = %parallel_loop3A to %parallel_loop3A_154 step %parallel_loop3A_155  : i32 {
            %parallel_loop3A_157 = arith.constant 16 : i32
            %parallel_loop3A_158 = arith.muli %scan3A_97, %parallel_loop3A_157 : i32
            %parallel_loop3A_159 = arith.addi %parallel_loop3A_158, %parallel_loop3A_156 : i32
            %parallel_loop3A_160 = arith.constant 0 : i32
            %parallel_loop3A_161 = vector.broadcast %parallel_loop3A_160 : i32 to vector<16xi32>
            %parallel_loop3A_162 = vector.broadcast %parallel_loop3A_156 : i32 to vector<16xi32>
            %parallel_loop3A_163 = arith.addi %parallel_loop3A_161, %parallel_loop3A_162 : vector<16xi32>
            %parallel_loop3A_164 = arith.constant 0 : i32
            %parallel_loop3A_165 = vector.broadcast %parallel_loop3A_164 : i32 to vector<16xi32>
            %parallel_loop3A_166 = arith.cmpi slt, %parallel_loop3A_163, %parallel_loop3A_165 : vector<16xi32>
            %parallel_loop3A_167 = arith.constant 16 : i32
            %parallel_loop3A_168 = vector.broadcast %parallel_loop3A_167 : i32 to vector<16xi32>
            %parallel_loop3A_169 = arith.addi %parallel_loop3A_163, %parallel_loop3A_168 : vector<16xi32>
            %parallel_loop3A_170 = arith.select %parallel_loop3A_166, %parallel_loop3A_169, %parallel_loop3A_163 : vector<16xi1>, vector<16xi32>
            %parallel_loop3A_171 = vector.shape_cast %parallel_loop3A_170 : vector<16xi32> to vector<16x1xi32>
            %parallel_loop3A_172 = vector.shape_cast %parallel_loop3A_171 : vector<16x1xi32> to vector<16xi32>
            %parallel_loop3A_173 = tpu.dynamic_gather %mul3A_151[%parallel_loop3A_172] in [0] : vector<16xf32>, vector<16xi32> -> vector<16xf32>
            %parallel_loop3A_174 = arith.constant 0 : i32
            %parallel_loop3A_175 = vector.broadcast %parallel_loop3A_174 : i32 to vector<16xi32>
            %parallel_loop3A_176 = arith.cmpi slt, %parallel_loop3A_163, %parallel_loop3A_175 : vector<16xi32>
            %parallel_loop3A_177 = arith.constant 16 : i32
            %parallel_loop3A_178 = vector.broadcast %parallel_loop3A_177 : i32 to vector<16xi32>
            %parallel_loop3A_179 = arith.addi %parallel_loop3A_163, %parallel_loop3A_178 : vector<16xi32>
            %parallel_loop3A_180 = arith.select %parallel_loop3A_176, %parallel_loop3A_179, %parallel_loop3A_163 : vector<16xi1>, vector<16xi32>
            %parallel_loop3A_181 = vector.shape_cast %parallel_loop3A_180 : vector<16xi32> to vector<16x1xi32>
            %parallel_loop3A_182 = vector.shape_cast %parallel_loop3A_181 : vector<16x1xi32> to vector<16xi32>
            %parallel_loop3A_183 = tpu.dynamic_gather %mul3A_152[%parallel_loop3A_182] in [0] : vector<16xf32>, vector<16xi32> -> vector<16xf32>
            %parallel_loop3A_184 = arith.constant 0 : i32
            %parallel_loop3A_185 = vector.broadcast %parallel_loop3A_184 : i32 to vector<16xi32>
            %parallel_loop3A_186 = arith.cmpi slt, %parallel_loop3A_163, %parallel_loop3A_185 : vector<16xi32>
            %parallel_loop3A_187 = arith.constant 16 : i32
            %parallel_loop3A_188 = vector.broadcast %parallel_loop3A_187 : i32 to vector<16xi32>
            %parallel_loop3A_189 = arith.addi %parallel_loop3A_163, %parallel_loop3A_188 : vector<16xi32>
            %parallel_loop3A_190 = arith.select %parallel_loop3A_186, %parallel_loop3A_189, %parallel_loop3A_163 : vector<16xi1>, vector<16xi32>
            %parallel_loop3A_191 = vector.shape_cast %parallel_loop3A_190 : vector<16xi32> to vector<16x1xi32>
            %parallel_loop3A_192 = vector.shape_cast %parallel_loop3A_191 : vector<16x1xi32> to vector<16xi32>
            %parallel_loop3A_193 = tpu.dynamic_gather %mul3A_153[%parallel_loop3A_192] in [0] : vector<16xf32>, vector<16xi32> -> vector<16xf32>
            %parallel_loop3A_194 = arith.index_cast %parallel_loop3A_159 : i32 to index
            %parallel_loop3A_195 = arith.constant 0 : index
            %parallel_loop3A_196 = tpu.vector_load %arg17[%parallel_loop3A_194, %parallel_loop3A_195] {strides = array<i32>} : memref<128x128xf32, #tpu.memory_space<vmem>>, vector<1x16xf32>,
            %parallel_loop3A_197 = vector.shape_cast %parallel_loop3A_196 : vector<1x16xf32> to vector<16xf32>
            %parallel_loop3A_198 = arith.mulf %parallel_loop3A_173, %parallel_loop3A_197 : vector<16xf32>
            %parallel_loop3A_199 = arith.index_cast %parallel_loop3A_159 : i32 to index
            %parallel_loop3A_200 = arith.constant 0 : index
            %parallel_loop3A_201 = tpu.vector_load %arg18[%parallel_loop3A_199, %parallel_loop3A_200] {strides = array<i32>} : memref<128x128xf32, #tpu.memory_space<vmem>>, vector<1x16xf32>,
            %parallel_loop3A_202 = vector.shape_cast %parallel_loop3A_201 : vector<1x16xf32> to vector<16xf32>
            %parallel_loop3A_203 = arith.mulf %parallel_loop3A_183, %parallel_loop3A_202 : vector<16xf32>
            %parallel_loop3A_204 = arith.addf %parallel_loop3A_198, %parallel_loop3A_203 : vector<16xf32>
            %parallel_loop3A_205 = arith.index_cast %parallel_loop3A_159 : i32 to index
            %parallel_loop3A_206 = arith.constant 0 : index
            %parallel_loop3A_207 = tpu.vector_load %arg19[%parallel_loop3A_205, %parallel_loop3A_206] {strides = array<i32>} : memref<128x128xf32, #tpu.memory_space<vmem>>, vector<1x16xf32>,
            %parallel_loop3A_208 = vector.shape_cast %parallel_loop3A_207 : vector<1x16xf32> to vector<16xf32>
            %parallel_loop3A_209 = arith.mulf %parallel_loop3A_193, %parallel_loop3A_208 : vector<16xf32>
            %parallel_loop3A_210 = arith.addf %parallel_loop3A_204, %parallel_loop3A_209 : vector<16xf32>
            %parallel_loop3A_211 = arith.index_cast %parallel_loop3A_159 : i32 to index
            %parallel_loop3A_212 = arith.constant 0 : index
            %parallel_loop3A_213 = tpu.vector_load %arg17[%parallel_loop3A_211, %parallel_loop3A_212] {strides = array<i32>} : memref<128x128xf32, #tpu.memory_space<vmem>>, vector<1x16xf32>,
            %parallel_loop3A_214 = vector.shape_cast %parallel_loop3A_213 : vector<1x16xf32> to vector<16xf32>
            %parallel_loop3A_215 = vector.shape_cast %parallel_loop3A_210 : vector<16xf32> to vector<1x16xf32>
            tpu.vector_store %arg17[%parallel_loop3A_211, %parallel_loop3A_212], %parallel_loop3A_215 {strides = array<i32>} : memref<128x128xf32, #tpu.memory_space<vmem>>, vector<1x16xf32>,
            %parallel_loop3A_216 = arith.index_cast %parallel_loop3A_159 : i32 to index
            %parallel_loop3A_217 = arith.constant 16 : index
            %parallel_loop3A_218 = tpu.vector_load %arg17[%parallel_loop3A_216, %parallel_loop3A_217] {strides = array<i32>} : memref<128x128xf32, #tpu.memory_space<vmem>>, vector<1x16xf32>,
            %parallel_loop3A_219 = vector.shape_cast %parallel_loop3A_218 : vector<1x16xf32> to vector<16xf32>
            %parallel_loop3A_220 = arith.mulf %parallel_loop3A_173, %parallel_loop3A_219 : vector<16xf32>
            %parallel_loop3A_221 = arith.index_cast %parallel_loop3A_159 : i32 to index
            %parallel_loop3A_222 = arith.constant 16 : index
            %parallel_loop3A_223 = tpu.vector_load %arg18[%parallel_loop3A_221, %parallel_loop3A_222] {strides = array<i32>} : memref<128x128xf32, #tpu.memory_space<vmem>>, vector<1x16xf32>,
            %parallel_loop3A_224 = vector.shape_cast %parallel_loop3A_223 : vector<1x16xf32> to vector<16xf32>
            %parallel_loop3A_225 = arith.mulf %parallel_loop3A_183, %parallel_loop3A_224 : vector<16xf32>
            %parallel_loop3A_226 = arith.addf %parallel_loop3A_220, %parallel_loop3A_225 : vector<16xf32>
            %parallel_loop3A_227 = arith.index_cast %parallel_loop3A_159 : i32 to index
            %parallel_loop3A_228 = arith.constant 16 : index
            %parallel_loop3A_229 = tpu.vector_load %arg19[%parallel_loop3A_227, %parallel_loop3A_228] {strides = array<i32>} : memref<128x128xf32, #tpu.memory_space<vmem>>, vector<1x16xf32>,
            %parallel_loop3A_230 = vector.shape_cast %parallel_loop3A_229 : vector<1x16xf32> to vector<16xf32>
            %parallel_loop3A_231 = arith.mulf %parallel_loop3A_193, %parallel_loop3A_230 : vector<16xf32>
            %parallel_loop3A_232 = arith.addf %parallel_loop3A_226, %parallel_loop3A_231 : vector<16xf32>
            %parallel_loop3A_233 = arith.index_cast %parallel_loop3A_159 : i32 to index
            %parallel_loop3A_234 = arith.constant 16 : index
            %parallel_loop3A_235 = tpu.vector_load %arg17[%parallel_loop3A_233, %parallel_loop3A_234] {strides = array<i32>} : memref<128x128xf32, #tpu.memory_space<vmem>>, vector<1x16xf32>,
            %parallel_loop3A_236 = vector.shape_cast %parallel_loop3A_235 : vector<1x16xf32> to vector<16xf32>
            %parallel_loop3A_237 = vector.shape_cast %parallel_loop3A_232 : vector<16xf32> to vector<1x16xf32>
            tpu.vector_store %arg17[%parallel_loop3A_233, %parallel_loop3A_234], %parallel_loop3A_237 {strides = array<i32>} : memref<128x128xf32, #tpu.memory_space<vmem>>, vector<1x16xf32>,
            %parallel_loop3A_238 = arith.index_cast %parallel_loop3A_159 : i32 to index
            %parallel_loop3A_239 = arith.constant 32 : index
            %parallel_loop3A_240 = tpu.vector_load %arg17[%parallel_loop3A_238, %parallel_loop3A_239] {strides = array<i32>} : memref<128x128xf32, #tpu.memory_space<vmem>>, vector<1x16xf32>,
            %parallel_loop3A_241 = vector.shape_cast %parallel_loop3A_240 : vector<1x16xf32> to vector<16xf32>
            %parallel_loop3A_242 = arith.mulf %parallel_loop3A_173, %parallel_loop3A_241 : vector<16xf32>
            %parallel_loop3A_243 = arith.index_cast %parallel_loop3A_159 : i32 to index
            %parallel_loop3A_244 = arith.constant 32 : index
            %parallel_loop3A_245 = tpu.vector_load %arg18[%parallel_loop3A_243, %parallel_loop3A_244] {strides = array<i32>} : memref<128x128xf32, #tpu.memory_space<vmem>>, vector<1x16xf32>,
            %parallel_loop3A_246 = vector.shape_cast %parallel_loop3A_245 : vector<1x16xf32> to vector<16xf32>
            %parallel_loop3A_247 = arith.mulf %parallel_loop3A_183, %parallel_loop3A_246 : vector<16xf32>
            %parallel_loop3A_248 = arith.addf %parallel_loop3A_242, %parallel_loop3A_247 : vector<16xf32>
            %parallel_loop3A_249 = arith.index_cast %parallel_loop3A_159 : i32 to index
            %parallel_loop3A_250 = arith.constant 32 : index
            %parallel_loop3A_251 = tpu.vector_load %arg19[%parallel_loop3A_249, %parallel_loop3A_250] {strides = array<i32>} : memref<128x128xf32, #tpu.memory_space<vmem>>, vector<1x16xf32>,
            %parallel_loop3A_252 = vector.shape_cast %parallel_loop3A_251 : vector<1x16xf32> to vector<16xf32>
            %parallel_loop3A_253 = arith.mulf %parallel_loop3A_193, %parallel_loop3A_252 : vector<16xf32>
            %parallel_loop3A_254 = arith.addf %parallel_loop3A_248, %parallel_loop3A_253 : vector<16xf32>
            %parallel_loop3A_255 = arith.index_cast %parallel_loop3A_159 : i32 to index
            %parallel_loop3A_256 = arith.constant 32 : index
            %parallel_loop3A_257 = tpu.vector_load %arg17[%parallel_loop3A_255, %parallel_loop3A_256] {strides = array<i32>} : memref<128x128xf32, #tpu.memory_space<vmem>>, vector<1x16xf32>,
            %parallel_loop3A_258 = vector.shape_cast %parallel_loop3A_257 : vector<1x16xf32> to vector<16xf32>
            %parallel_loop3A_259 = vector.shape_cast %parallel_loop3A_254 : vector<16xf32> to vector<1x16xf32>
            tpu.vector_store %arg17[%parallel_loop3A_255, %parallel_loop3A_256], %parallel_loop3A_259 {strides = array<i32>} : memref<128x128xf32, #tpu.memory_space<vmem>>, vector<1x16xf32>,
            %parallel_loop3A_260 = arith.index_cast %parallel_loop3A_159 : i32 to index
            %parallel_loop3A_261 = arith.constant 48 : index
            %parallel_loop3A_262 = tpu.vector_load %arg17[%parallel_loop3A_260, %parallel_loop3A_261] {strides = array<i32>} : memref<128x128xf32, #tpu.memory_space<vmem>>, vector<1x16xf32>,
            %parallel_loop3A_263 = vector.shape_cast %parallel_loop3A_262 : vector<1x16xf32> to vector<16xf32>
            %parallel_loop3A_264 = arith.mulf %parallel_loop3A_173, %parallel_loop3A_263 : vector<16xf32>
            %parallel_loop3A_265 = arith.index_cast %parallel_loop3A_159 : i32 to index
            %parallel_loop3A_266 = arith.constant 48 : index
            %parallel_loop3A_267 = tpu.vector_load %arg18[%parallel_loop3A_265, %parallel_loop3A_266] {strides = array<i32>} : memref<128x128xf32, #tpu.memory_space<vmem>>, vector<1x16xf32>,
            %parallel_loop3A_268 = vector.shape_cast %parallel_loop3A_267 : vector<1x16xf32> to vector<16xf32>
            %parallel_loop3A_269 = arith.mulf %parallel_loop3A_183, %parallel_loop3A_268 : vector<16xf32>
            %parallel_loop3A_270 = arith.addf %parallel_loop3A_264, %parallel_loop3A_269 : vector<16xf32>
            %parallel_loop3A_271 = arith.index_cast %parallel_loop3A_159 : i32 to index
            %parallel_loop3A_272 = arith.constant 48 : index
            %parallel_loop3A_273 = tpu.vector_load %arg19[%parallel_loop3A_271, %parallel_loop3A_272] {strides = array<i32>} : memref<128x128xf32, #tpu.memory_space<vmem>>, vector<1x16xf32>,
            %parallel_loop3A_274 = vector.shape_cast %parallel_loop3A_273 : vector<1x16xf32> to vector<16xf32>
            %parallel_loop3A_275 = arith.mulf %parallel_loop3A_193, %parallel_loop3A_274 : vector<16xf32>
            %parallel_loop3A_276 = arith.addf %parallel_loop3A_270, %parallel_loop3A_275 : vector<16xf32>
            %parallel_loop3A_277 = arith.index_cast %parallel_loop3A_159 : i32 to index
            %parallel_loop3A_278 = arith.constant 48 : index
            %parallel_loop3A_279 = tpu.vector_load %arg17[%parallel_loop3A_277, %parallel_loop3A_278] {strides = array<i32>} : memref<128x128xf32, #tpu.memory_space<vmem>>, vector<1x16xf32>,
            %parallel_loop3A_280 = vector.shape_cast %parallel_loop3A_279 : vector<1x16xf32> to vector<16xf32>
            %parallel_loop3A_281 = vector.shape_cast %parallel_loop3A_276 : vector<16xf32> to vector<1x16xf32>
            tpu.vector_store %arg17[%parallel_loop3A_277, %parallel_loop3A_278], %parallel_loop3A_281 {strides = array<i32>} : memref<128x128xf32, #tpu.memory_space<vmem>>, vector<1x16xf32>,
            %parallel_loop3A_282 = arith.index_cast %parallel_loop3A_159 : i32 to index
            %parallel_loop3A_283 = arith.constant 64 : index
            %parallel_loop3A_284 = tpu.vector_load %arg17[%parallel_loop3A_282, %parallel_loop3A_283] {strides = array<i32>} : memref<128x128xf32, #tpu.memory_space<vmem>>, vector<1x16xf32>,
            %parallel_loop3A_285 = vector.shape_cast %parallel_loop3A_284 : vector<1x16xf32> to vector<16xf32>
            %parallel_loop3A_286 = arith.mulf %parallel_loop3A_173, %parallel_loop3A_285 : vector<16xf32>
            %parallel_loop3A_287 = arith.index_cast %parallel_loop3A_159 : i32 to index
            %parallel_loop3A_288 = arith.constant 64 : index
            %parallel_loop3A_289 = tpu.vector_load %arg18[%parallel_loop3A_287, %parallel_loop3A_288] {strides = array<i32>} : memref<128x128xf32, #tpu.memory_space<vmem>>, vector<1x16xf32>,
            %parallel_loop3A_290 = vector.shape_cast %parallel_loop3A_289 : vector<1x16xf32> to vector<16xf32>
            %parallel_loop3A_291 = arith.mulf %parallel_loop3A_183, %parallel_loop3A_290 : vector<16xf32>
            %parallel_loop3A_292 = arith.addf %parallel_loop3A_286, %parallel_loop3A_291 : vector<16xf32>
            %parallel_loop3A_293 = arith.index_cast %parallel_loop3A_159 : i32 to index
            %parallel_loop3A_294 = arith.constant 64 : index
            %parallel_loop3A_295 = tpu.vector_load %arg19[%parallel_loop3A_293, %parallel_loop3A_294] {strides = array<i32>} : memref<128x128xf32, #tpu.memory_space<vmem>>, vector<1x16xf32>,
            %parallel_loop3A_296 = vector.shape_cast %parallel_loop3A_295 : vector<1x16xf32> to vector<16xf32>
            %parallel_loop3A_297 = arith.mulf %parallel_loop3A_193, %parallel_loop3A_296 : vector<16xf32>
            %parallel_loop3A_298 = arith.addf %parallel_loop3A_292, %parallel_loop3A_297 : vector<16xf32>
            %parallel_loop3A_299 = arith.index_cast %parallel_loop3A_159 : i32 to index
            %parallel_loop3A_300 = arith.constant 64 : index
            %parallel_loop3A_301 = tpu.vector_load %arg17[%parallel_loop3A_299, %parallel_loop3A_300] {strides = array<i32>} : memref<128x128xf32, #tpu.memory_space<vmem>>, vector<1x16xf32>,
            %parallel_loop3A_302 = vector.shape_cast %parallel_loop3A_301 : vector<1x16xf32> to vector<16xf32>
            %parallel_loop3A_303 = vector.shape_cast %parallel_loop3A_298 : vector<16xf32> to vector<1x16xf32>
            tpu.vector_store %arg17[%parallel_loop3A_299, %parallel_loop3A_300], %parallel_loop3A_303 {strides = array<i32>} : memref<128x128xf32, #tpu.memory_space<vmem>>, vector<1x16xf32>,
            %parallel_loop3A_304 = arith.index_cast %parallel_loop3A_159 : i32 to index
            %parallel_loop3A_305 = arith.constant 80 : index
            %parallel_loop3A_306 = tpu.vector_load %arg17[%parallel_loop3A_304, %parallel_loop3A_305] {strides = array<i32>} : memref<128x128xf32, #tpu.memory_space<vmem>>, vector<1x16xf32>,
            %parallel_loop3A_307 = vector.shape_cast %parallel_loop3A_306 : vector<1x16xf32> to vector<16xf32>
            %parallel_loop3A_308 = arith.mulf %parallel_loop3A_173, %parallel_loop3A_307 : vector<16xf32>
            %parallel_loop3A_309 = arith.index_cast %parallel_loop3A_159 : i32 to index
            %parallel_loop3A_310 = arith.constant 80 : index
            %parallel_loop3A_311 = tpu.vector_load %arg18[%parallel_loop3A_309, %parallel_loop3A_310] {strides = array<i32>} : memref<128x128xf32, #tpu.memory_space<vmem>>, vector<1x16xf32>,
            %parallel_loop3A_312 = vector.shape_cast %parallel_loop3A_311 : vector<1x16xf32> to vector<16xf32>
            %parallel_loop3A_313 = arith.mulf %parallel_loop3A_183, %parallel_loop3A_312 : vector<16xf32>
            %parallel_loop3A_314 = arith.addf %parallel_loop3A_308, %parallel_loop3A_313 : vector<16xf32>
            %parallel_loop3A_315 = arith.index_cast %parallel_loop3A_159 : i32 to index
            %parallel_loop3A_316 = arith.constant 80 : index
            %parallel_loop3A_317 = tpu.vector_load %arg19[%parallel_loop3A_315, %parallel_loop3A_316] {strides = array<i32>} : memref<128x128xf32, #tpu.memory_space<vmem>>, vector<1x16xf32>,
            %parallel_loop3A_318 = vector.shape_cast %parallel_loop3A_317 : vector<1x16xf32> to vector<16xf32>
            %parallel_loop3A_319 = arith.mulf %parallel_loop3A_193, %parallel_loop3A_318 : vector<16xf32>
            %parallel_loop3A_320 = arith.addf %parallel_loop3A_314, %parallel_loop3A_319 : vector<16xf32>
            %parallel_loop3A_321 = arith.index_cast %parallel_loop3A_159 : i32 to index
            %parallel_loop3A_322 = arith.constant 80 : index
            %parallel_loop3A_323 = tpu.vector_load %arg17[%parallel_loop3A_321, %parallel_loop3A_322] {strides = array<i32>} : memref<128x128xf32, #tpu.memory_space<vmem>>, vector<1x16xf32>,
            %parallel_loop3A_324 = vector.shape_cast %parallel_loop3A_323 : vector<1x16xf32> to vector<16xf32>
            %parallel_loop3A_325 = vector.shape_cast %parallel_loop3A_320 : vector<16xf32> to vector<1x16xf32>
            tpu.vector_store %arg17[%parallel_loop3A_321, %parallel_loop3A_322], %parallel_loop3A_325 {strides = array<i32>} : memref<128x128xf32, #tpu.memory_space<vmem>>, vector<1x16xf32>,
            %parallel_loop3A_326 = arith.index_cast %parallel_loop3A_159 : i32 to index
            %parallel_loop3A_327 = arith.constant 96 : index
            %parallel_loop3A_328 = tpu.vector_load %arg17[%parallel_loop3A_326, %parallel_loop3A_327] {strides = array<i32>} : memref<128x128xf32, #tpu.memory_space<vmem>>, vector<1x16xf32>,
            %parallel_loop3A_329 = vector.shape_cast %parallel_loop3A_328 : vector<1x16xf32> to vector<16xf32>
            %parallel_loop3A_330 = arith.mulf %parallel_loop3A_173, %parallel_loop3A_329 : vector<16xf32>
            %parallel_loop3A_331 = arith.index_cast %parallel_loop3A_159 : i32 to index
            %parallel_loop3A_332 = arith.constant 96 : index
            %parallel_loop3A_333 = tpu.vector_load %arg18[%parallel_loop3A_331, %parallel_loop3A_332] {strides = array<i32>} : memref<128x128xf32, #tpu.memory_space<vmem>>, vector<1x16xf32>,
            %parallel_loop3A_334 = vector.shape_cast %parallel_loop3A_333 : vector<1x16xf32> to vector<16xf32>
            %parallel_loop3A_335 = arith.mulf %parallel_loop3A_183, %parallel_loop3A_334 : vector<16xf32>
            %parallel_loop3A_336 = arith.addf %parallel_loop3A_330, %parallel_loop3A_335 : vector<16xf32>
            %parallel_loop3A_337 = arith.index_cast %parallel_loop3A_159 : i32 to index
            %parallel_loop3A_338 = arith.constant 96 : index
            %parallel_loop3A_339 = tpu.vector_load %arg19[%parallel_loop3A_337, %parallel_loop3A_338] {strides = array<i32>} : memref<128x128xf32, #tpu.memory_space<vmem>>, vector<1x16xf32>,
            %parallel_loop3A_340 = vector.shape_cast %parallel_loop3A_339 : vector<1x16xf32> to vector<16xf32>
            %parallel_loop3A_341 = arith.mulf %parallel_loop3A_193, %parallel_loop3A_340 : vector<16xf32>
            %parallel_loop3A_342 = arith.addf %parallel_loop3A_336, %parallel_loop3A_341 : vector<16xf32>
            %parallel_loop3A_343 = arith.index_cast %parallel_loop3A_159 : i32 to index
            %parallel_loop3A_344 = arith.constant 96 : index
            %parallel_loop3A_345 = tpu.vector_load %arg17[%parallel_loop3A_343, %parallel_loop3A_344] {strides = array<i32>} : memref<128x128xf32, #tpu.memory_space<vmem>>, vector<1x16xf32>,
            %parallel_loop3A_346 = vector.shape_cast %parallel_loop3A_345 : vector<1x16xf32> to vector<16xf32>
            %parallel_loop3A_347 = vector.shape_cast %parallel_loop3A_342 : vector<16xf32> to vector<1x16xf32>
            tpu.vector_store %arg17[%parallel_loop3A_343, %parallel_loop3A_344], %parallel_loop3A_347 {strides = array<i32>} : memref<128x128xf32, #tpu.memory_space<vmem>>, vector<1x16xf32>,
            %parallel_loop3A_348 = arith.index_cast %parallel_loop3A_159 : i32 to index
            %parallel_loop3A_349 = arith.constant 112 : index
            %parallel_loop3A_350 = tpu.vector_load %arg17[%parallel_loop3A_348, %parallel_loop3A_349] {strides = array<i32>} : memref<128x128xf32, #tpu.memory_space<vmem>>, vector<1x16xf32>,
            %parallel_loop3A_351 = vector.shape_cast %parallel_loop3A_350 : vector<1x16xf32> to vector<16xf32>
            %parallel_loop3A_352 = arith.mulf %parallel_loop3A_173, %parallel_loop3A_351 : vector<16xf32>
            %parallel_loop3A_353 = arith.index_cast %parallel_loop3A_159 : i32 to index
            %parallel_loop3A_354 = arith.constant 112 : index
            %parallel_loop3A_355 = tpu.vector_load %arg18[%parallel_loop3A_353, %parallel_loop3A_354] {strides = array<i32>} : memref<128x128xf32, #tpu.memory_space<vmem>>, vector<1x16xf32>,
            %parallel_loop3A_356 = vector.shape_cast %parallel_loop3A_355 : vector<1x16xf32> to vector<16xf32>
            %parallel_loop3A_357 = arith.mulf %parallel_loop3A_183, %parallel_loop3A_356 : vector<16xf32>
            %parallel_loop3A_358 = arith.addf %parallel_loop3A_352, %parallel_loop3A_357 : vector<16xf32>
            %parallel_loop3A_359 = arith.index_cast %parallel_loop3A_159 : i32 to index
            %parallel_loop3A_360 = arith.constant 112 : index
            %parallel_loop3A_361 = tpu.vector_load %arg19[%parallel_loop3A_359, %parallel_loop3A_360] {strides = array<i32>} : memref<128x128xf32, #tpu.memory_space<vmem>>, vector<1x16xf32>,
            %parallel_loop3A_362 = vector.shape_cast %parallel_loop3A_361 : vector<1x16xf32> to vector<16xf32>
            %parallel_loop3A_363 = arith.mulf %parallel_loop3A_193, %parallel_loop3A_362 : vector<16xf32>
            %parallel_loop3A_364 = arith.addf %parallel_loop3A_358, %parallel_loop3A_363 : vector<16xf32>
            %parallel_loop3A_365 = arith.index_cast %parallel_loop3A_159 : i32 to index
            %parallel_loop3A_366 = arith.constant 112 : index
            %parallel_loop3A_367 = tpu.vector_load %arg17[%parallel_loop3A_365, %parallel_loop3A_366] {strides = array<i32>} : memref<128x128xf32, #tpu.memory_space<vmem>>, vector<1x16xf32>,
            %parallel_loop3A_368 = vector.shape_cast %parallel_loop3A_367 : vector<1x16xf32> to vector<16xf32>
            %parallel_loop3A_369 = vector.shape_cast %parallel_loop3A_364 : vector<16xf32> to vector<1x16xf32>
            tpu.vector_store %arg17[%parallel_loop3A_365, %parallel_loop3A_366], %parallel_loop3A_369 {strides = array<i32>} : memref<128x128xf32, #tpu.memory_space<vmem>>, vector<1x16xf32>,
          } {sc.loop_unroll_factor = 4 : i64, sc.parallel_access}
        }
        %scan3A_93 = arith.constant 8 : i32
        %dma_start3A = arith.constant 0 : i32
        %dma_start3A_94 = tpu.memref_slice %arg7[%mul3A_61, %dma_start3A] : memref<160000x128xf32, #tpu.memory_space<hbm>> -> memref<128x128xf32, #tpu.memory_space<hbm>>
        %dma_start3A_95 = arith.constant 0 : i32
        %dma_start3A_96 = tpu.memref_slice %arg7[%mul3A_61, %dma_start3A_95] : memref<160000x128xf32, #tpu.memory_space<hbm>> -> memref<128x128xf32, #tpu.memory_space<hbm>>
        tpu.enqueue_dma source(%arg17 : memref<128x128xf32, #tpu.memory_space<vmem>>) target(%dma_start3A_96 : memref<128x128xf32, #tpu.memory_space<hbm>>) target_semaphore(%arg25 : memref<!tpu.dma_semaphore, #tpu.memory_space<semaphore_mem>>)
      } else {
      }
    }
    %scan3A_22 = arith.constant 20 : i32
    %dma_wait3A = arith.constant 0 : i32
    %dma_wait3A_23 = arith.constant 0 : i32
    %dma_wait3A_24 = tpu.memref_slice %arg7[%dma_wait3A, %dma_wait3A_23] : memref<160000x128xf32, #tpu.memory_space<hbm>> -> memref<128x128xf32, #tpu.memory_space<hbm>>
    %dma_wait3A_25 = arith.constant 0 : i32
    %dma_wait3A_26 = arith.constant 0 : i32
    %dma_wait3A_27 = tpu.memref_slice %arg7[%dma_wait3A_25, %dma_wait3A_26] : memref<160000x128xf32, #tpu.memory_space<hbm>> -> memref<128x128xf32, #tpu.memory_space<hbm>>
    tpu.wait_dma2 semaphore(%arg24 : memref<!tpu.dma_semaphore, #tpu.memory_space<semaphore_mem>>) src(%arg12 : memref<128x128xf32, #tpu.memory_space<vmem>>) dst(%dma_wait3A_27 : memref<128x128xf32, #tpu.memory_space<hbm>>)
    %dma_wait3A_28 = arith.constant 0 : i32
    %dma_wait3A_29 = arith.constant 0 : i32
    %dma_wait3A_30 = tpu.memref_slice %arg7[%dma_wait3A_28, %dma_wait3A_29] : memref<160000x128xf32, #tpu.memory_space<hbm>> -> memref<128x128xf32, #tpu.memory_space<hbm>>
    %dma_wait3A_31 = arith.constant 0 : i32
    %dma_wait3A_32 = arith.constant 0 : i32
    %dma_wait3A_33 = tpu.memref_slice %arg7[%dma_wait3A_31, %dma_wait3A_32] : memref<160000x128xf32, #tpu.memory_space<hbm>> -> memref<128x128xf32, #tpu.memory_space<hbm>>
    tpu.wait_dma2 semaphore(%arg25 : memref<!tpu.dma_semaphore, #tpu.memory_space<semaphore_mem>>) src(%arg17 : memref<128x128xf32, #tpu.memory_space<vmem>>) dst(%dma_wait3A_33 : memref<128x128xf32, #tpu.memory_space<hbm>>)
    return
  }
}

module attributes {stable_mosaic.version = 14 : i64} {
  func.func @_tc_body(%arg0: i32, %arg1: memref<3200x128xf32, #tpu.memory_space<vmem>>, %arg2: memref<128x128xf32, #tpu.memory_space<vmem>>, %arg3: memref<2x128xf32, #tpu.memory_space<vmem>>, %arg4: memref<1x128xf32, #tpu.memory_space<vmem>>, %arg5: memref<3200x128xf32, #tpu.memory_space<vmem>>, %arg6: memref<1x2x3200xf32, #tpu.memory_space<vmem>>) attributes {dimension_semantics = [#tpu.dimension_semantics<arbitrary>], iteration_bounds = array<i64: 50>, scalar_prefetch = 0 : i64, scratch_operands = 0 : i64, tpu.core_type = #tpu.core_type<tc>, window_params = [{transform_indices = @transform_0, window_bounds = array<i64: 3200, 128>}, {pipeline_mode = #tpu.pipeline_mode<synchronous>, transform_indices = @transform_1, window_bounds = array<i64: 128, 128>}, {pipeline_mode = #tpu.pipeline_mode<synchronous>, transform_indices = @transform_2, window_bounds = array<i64: 2, 128>}, {pipeline_mode = #tpu.pipeline_mode<synchronous>, transform_indices = @transform_3, window_bounds = array<i64: 1, 128>}, {transform_indices = @transform_4, window_bounds = array<i64: 3200, 128>}, {transform_indices = @transform_5, window_bounds = array<i64: 1, 2, 3200>}]} {
    %get3A = arith.constant 0 : index
    %get3A_0 = arith.constant 0 : index
    %get3A_1 = vector.load %arg1[%get3A, %get3A_0] : memref<3200x128xf32, #tpu.memory_space<vmem>>, vector<3200x128xf32>
    %get3A_2 = arith.constant 0 : index
    %get3A_3 = arith.constant 0 : index
    %get3A_4 = vector.load %arg2[%get3A_2, %get3A_3] : memref<128x128xf32, #tpu.memory_space<vmem>>, vector<128x128xf32>
    %dot_general3A = arith.constant dense<0.000000e+00> : vector<3200x128xf32>
    %dot_general3A_5 = tpu.matmul %get3A_1, %get3A_4, %dot_general3A {dimension_numbers = #tpu.dot_dimension_numbers<[1], [0], [0], [1], [0, 0, 1, 1], [], []>, transpose_lhs_hint = false} : vector<3200x128xf32>, vector<128x128xf32>, vector<3200x128xf32> -> vector<3200x128xf32>
    %get3A_6 = arith.constant 0 : index
    %get3A_7 = arith.constant 0 : index
    %get3A_8 = vector.load %arg3[%get3A_6, %get3A_7] : memref<2x128xf32, #tpu.memory_space<vmem>>, vector<2x128xf32>
    %dot_general3A_9 = arith.constant dense<0.000000e+00> : vector<2x3200xf32>
    %dot_general3A_10 = tpu.matmul %get3A_8, %dot_general3A_5, %dot_general3A_9 {dimension_numbers = #tpu.dot_dimension_numbers<[1], [1], [0], [0], [0, 0, 1, 0], [], []>, transpose_lhs_hint = false} : vector<2x128xf32>, vector<3200x128xf32>, vector<2x3200xf32> -> vector<2x3200xf32>
    %reshape3A = vector.shape_cast %dot_general3A_10 : vector<2x3200xf32> to vector<1x2x3200xf32>
    %swap3A = arith.constant 0 : index
    %swap3A_11 = arith.constant 0 : index
    %swap3A_12 = arith.constant 0 : index
    %swap3A_13 = vector.load %arg6[%swap3A, %swap3A_11, %swap3A_12] : memref<1x2x3200xf32, #tpu.memory_space<vmem>>, vector<1x2x3200xf32>
    tpu.vector_store %arg6[%swap3A, %swap3A_11, %swap3A_12], %reshape3A {strides = array<i32>} : memref<1x2x3200xf32, #tpu.memory_space<vmem>>, vector<1x2x3200xf32>,
    %get3A_14 = arith.constant 0 : index
    %get3A_15 = arith.constant 0 : index
    %get3A_16 = vector.load %arg4[%get3A_14, %get3A_15] : memref<1x128xf32, #tpu.memory_space<vmem>>, vector<1x128xf32>
    %add3A = vector.broadcast %get3A_16 : vector<1x128xf32> to vector<3200x128xf32>
    %add3A_17 = arith.addf %dot_general3A_5, %add3A : vector<3200x128xf32>
    %swap3A_18 = arith.constant 0 : index
    %swap3A_19 = arith.constant 0 : index
    %swap3A_20 = vector.load %arg5[%swap3A_18, %swap3A_19] : memref<3200x128xf32, #tpu.memory_space<vmem>>, vector<3200x128xf32>
    tpu.vector_store %arg5[%swap3A_18, %swap3A_19], %add3A_17 {strides = array<i32>} : memref<3200x128xf32, #tpu.memory_space<vmem>>, vector<3200x128xf32>,
    return
  }
  func.func @transform_0(%arg0: i32) -> (i32, i32) {
    %c0_i32 = arith.constant 0 : i32
    %c0_i32_0 = arith.constant 0 : i32
    return %arg0, %c0_i32 : i32, i32
  }
  func.func @transform_1(%arg0: i32) -> (i32, i32) {
    %c0_i32 = arith.constant 0 : i32
    %c0_i32_0 = arith.constant 0 : i32
    %c0_i32_1 = arith.constant 0 : i32
    return %c0_i32, %c0_i32_0 : i32, i32
  }
  func.func @transform_2(%arg0: i32) -> (i32, i32) {
    %c0_i32 = arith.constant 0 : i32
    %c0_i32_0 = arith.constant 0 : i32
    %c0_i32_1 = arith.constant 0 : i32
    return %c0_i32, %c0_i32_0 : i32, i32
  }
  func.func @transform_3(%arg0: i32) -> (i32, i32) {
    %c0_i32 = arith.constant 0 : i32
    %c0_i32_0 = arith.constant 0 : i32
    %c0_i32_1 = arith.constant 0 : i32
    return %c0_i32, %c0_i32_0 : i32, i32
  }
  func.func @transform_4(%arg0: i32) -> (i32, i32) {
    %c0_i32 = arith.constant 0 : i32
    %c0_i32_0 = arith.constant 0 : i32
    return %arg0, %c0_i32 : i32, i32
  }
  func.func @transform_5(%arg0: i32) -> (i32, i32, i32) {
    %c0_i32 = arith.constant 0 : i32
    %c0_i32_0 = arith.constant 0 : i32
    %c0_i32_1 = arith.constant 0 : i32
    return %arg0, %c0_i32, %c0_i32_0 : i32, i32, i32
  }
}

</mosaic_0001>

<sc_bundles>
// kernel: kernel.4.cloned.1.call-start
scs
__scs_entry_jumppad:
0x0: {  	(pc) =	sbr.rel $0x88, $3  }
0x1: {  	(tag) =	ssettag $0x0;
	lr =	simm.s32 $0x1  }
0x2: {  	[smem:$0x3F9B] =	sst lr;
	_ =	strace $0xD0000000  }
0x3: {  	_ = 	snop  }
0x4: {  	_ = 	snop  }
0x5: {  	_ = 	snop  }
0x6: {  	_ = 	snop  }
0x7: {  	_ = 	snop  }
__scs_overlays_trampoline_lowered:
0x8: {  	[smem:$0x3FAA] =	sst s0  }
0x9: {  	[smem:$0x3FAB] =	sst s1  }
0xa: {  	[smem:$0x3FAC] =	sst s2  }
0xb: {  	[smem:$0x3FAD] =	sst s3  }
0xc: {  	[smem:$0x3FAE] =	sst s4  }
0xd: {  	[smem:$0x3FAF] =	sst s5  }
0xe: {  	[smem:$0x3FB0] =	sst s6  }
0xf: {  	[smem:$0x3FB1] =	sst s7  }
0x10: {  	[smem:$0x3FB2] =	sst s8  }
0x11: {  	[smem:$0x3FB3] =	sst s9;
	s0 =	simm.s32 @!p0 $0x0  }
0x12: {  	s1 =	sld [smem:$0x3F99];
	s0 =	simm.s32 @p0 $0x1  }
0x13: {  	[smem:$0x3FB4] =	sst s0;
	s0 =	simm.s32 @!p1 $0x0  }
0x14: {  	s2 =	sld [smem:$0x3F98];
	s0 =	simm.s32 @p1 $0x1  }
0x15: {  	[smem:$0x3FB5] =	sst s0;
	s0 =	simm.s32 @!p2 $0x0  }
0x16: {  	s3 =	sld [smem:$0x3FDB];
	s0 =	simm.s32 @p2 $0x1  }
0x17: {  	s4 =	simm.s32 $0x1BF5;
	[smem:$0x3FB7] =	sst s0  }
0x18: {  	s0 =	sld [smem:$0x3F9A];
	_ =	swait.ge [sflag:s4], $0x0  }
0x19: {  	s7 =	sld [smem:$0x3F9B]  }
0x1a: {  	s8 =	sadd.s32 $0xFFFFE003, lr  }
0x1b: {  	s9 =	sadd.s32 $0xFFFFFEF7, lr;
	s5 =	simm.s32 $0xFFFFFFFF;
	p2 =	slt.u32 s8, $0xFFFFF086  }
0x1c: {  	p1 =	slt.u32 s9, $0xF7A;
	s5 =	simm.s32 @!p2 $0x0  }
0x1d: {  	s5 =	simm.s32 @p1 $0x1;
	p0 =	seq.s32 s7, s2  }
0x1e: {  	s7 =	smul.u32 @!p0 $0xF7A, s2;
	p2 =	seq.s32 @!p0 s5, $0x0  }
0x1f: {  	s9 =	smul.u32 $0xF7A, s1;
	s8 =	simm.s32 @!p0 $0x1BF5;
	p2 =	por !p2, p0  }
0x20: {  	[sflag:s8] =	ssyncset.s32 @!p0 $0xFFFFF086;
	s6 =	sadd.s32 @!p0 s3, s7;
	s7 =	simm.s32 @!p0 $0x108  }
0x21: {  	s3 =	sadd.s32 s3, s9;
	s6 =	sadd.s32 @!p0 $0x88, s6;
	s7 =	simm.s32 @p2 $0x1082  }
0x22: {  	[simem:s7], [sflag:s8] =	dma.local @!p0 [hbm:s6], $0xF7A  }
0x23: {  	s9 =	sor.u32 $0xD0000000, s2;
	s6 =	simm.s32 $0x108;
	_ =	swait.ge @!p0 [sflag:s8], $0x0  }
0x24: {  	s3 =	sadd.s32 $0x88, s3;
	s6 =	simm.s32 @!p1 $0x1082;
	[sflag:s4] =	ssyncset.s32 $0xFFFFF086  }
0x25: {  	[simem:s6], [sflag:s4] =	dma.local [hbm:s3], $0xF7A  }
0x26: {  	[smem:$0x3F9B] =	sst s1;
	(tag) =	ssettag s2;
	_ =	strace s9  }
0x27: {  	s1 =	sld [smem:$0x3FAB]  }
0x28: {  	s2 =	sld [smem:$0x3FAC]  }
0x29: {  	s4 =	sld [smem:$0x3FAE]  }
0x2a: {  	p0 =	seq.s32 s5, $0x0;
	s5 =	sld [smem:$0x3FAF]  }
0x2b: {  	s6 =	sld [smem:$0x3FB0]  }
0x2c: {  	s7 =	sld [smem:$0x3FB1]  }
0x2d: {  	s3 =	simm.s32 $0x108;
	s8 =	sld [smem:$0x3FB2]  }
0x2e: {  	s3 =	simm.s32 @!p0 $0x1082;
	s9 =	sld [smem:$0x3FB3]  }
0x2f: {  	lr =	sadd.s32 s0, s3;
	s0 =	sld [smem:$0x3FAA]  }
0x30: {  	s3 =	sld [smem:$0x3FAD]  }
0x31: {  	[smem:$0x3FB6] =	sst s10  }
0x32: {  	s10 =	sld [smem:$0x3FB4];
	_ =	sdelay $0x3  }
0x33: {  	p0 =	seq.s32 s10, $0x1;
	s10 =	sld [smem:$0x3FB6];
	_ =	sdelay $0x3  }
0x34: {  	[smem:$0x3FB6] =	sst s10  }
0x35: {  	s10 =	sld [smem:$0x3FB5];
	_ =	sdelay $0x3  }
0x36: {  	p1 =	seq.s32 s10, $0x1;
	s10 =	sld [smem:$0x3FB6];
	_ =	sdelay $0x3  }
0x37: {  	[smem:$0x3FB6] =	sst s10  }
0x38: {  	s10 =	sld [smem:$0x3FB7]  }
0x39: {  	_ = 	snop;
	(pc) =	sbr.ind lr, $3  }
0x3a: {  	_ = 	snop  }
0x3b: {  	_ = 	snop  }
0x3c: {  	p2 =	seq.s32 s10, $0x1;
	s10 =	sld [smem:$0x3FB6]  }
0x3d: {  	_ =	shalt  }
0x3e: {  	_ =	shalt  }
0x3f: {  	_ =	shalt  }
0x40: {  	_ =	shalt  }
0x41: {  	_ =	shalt  }
0x42: {  	_ =	shalt  }
0x43: {  	_ =	shalt  }
0x44: {  	_ =	shalt  }
0x45: {  	_ =	shalt  }
0x46: {  	_ =	shalt  }
0x47: {  	_ =	shalt  }
0x48: {  	_ =	shalt  }
0x49: {  	_ =	shalt  }
0x4a: {  	_ =	shalt  }
0x4b: {  	_ =	shalt  }
0x4c: {  	_ =	shalt  }
0x4d: {  	_ =	shalt  }
0x4e: {  	_ =	shalt  }
0x4f: {  	_ =	shalt  }
0x50: {  	_ =	shalt  }
0x51: {  	_ =	shalt  }
0x52: {  	_ =	shalt  }
0x53: {  	_ =	shalt  }
0x54: {  	_ =	shalt  }
0x55: {  	_ =	shalt  }
0x56: {  	_ =	shalt  }
0x57: {  	_ =	shalt  }
0x58: {  	_ =	shalt  }
0x59: {  	_ =	shalt  }
0x5a: {  	_ =	shalt  }
0x5b: {  	_ =	shalt  }
0x5c: {  	_ =	shalt  }
0x5d: {  	_ =	shalt  }
0x5e: {  	_ =	shalt  }
0x5f: {  	_ =	shalt  }
0x60: {  	_ =	shalt  }
0x61: {  	_ =	shalt  }
0x62: {  	_ =	shalt  }
0x63: {  	_ =	shalt  }
0x64: {  	_ =	shalt  }
0x65: {  	_ =	shalt  }
0x66: {  	_ =	shalt  }
0x67: {  	_ =	shalt  }
0x68: {  	_ =	shalt  }
0x69: {  	_ =	shalt  }
0x6a: {  	_ =	shalt  }
0x6b: {  	_ =	shalt  }
0x6c: {  	_ =	shalt  }
0x6d: {  	_ =	shalt  }
0x6e: {  	_ =	shalt  }
0x6f: {  	_ =	shalt  }
0x70: {  	_ =	shalt  }
0x71: {  	_ =	shalt  }
0x72: {  	_ =	shalt  }
0x73: {  	_ =	shalt  }
0x74: {  	_ =	shalt  }
0x75: {  	_ =	shalt  }
0x76: {  	_ =	shalt  }
0x77: {  	_ =	shalt  }
0x78: {  	_ =	shalt  }
0x79: {  	_ =	shalt  }
0x7a: {  	_ =	shalt  }
0x7b: {  	_ =	shalt  }
0x7c: {  	_ =	shalt  }
0x7d: {  	_ =	shalt  }
0x7e: {  	_ =	shalt  }
0x7f: {  	_ =	shalt  }
0x80: {  	_ =	shalt  }
0x81: {  	_ =	shalt  }
0x82: {  	_ =	shalt  }
0x83: {  	_ =	shalt  }
0x84: {  	_ =	shalt  }
0x85: {  	_ =	shalt  }
0x86: {  	_ =	shalt  }
0x87: {  	_ =	shalt  }
.Lfunc_end0:
.L_simem_size_0:
called_computation_lowered:
.L_overlay_start_0:
0x88: {  	s2 =	sld [smem:$0x3FD9]  }
0x89: {  	s3 =	sld [smem:$0x3FFE];
	_ =	sdelay $0x1  }
0x8a: {  	s1 =	srdreg.scid  }
0x8b: {  	s0 =	sand.u32 $0x1, s1  }
0x8c: {  	s17 =	sshll.u32 s0, $0xA;
	s2 =	sadd.s32 s3, s2  }
0x8d: {  	s2 =	sadd.s32 s2, s17  }
0x8e: {  	[smem:$0x3FC2] =	sst s2  }
0x8f: {  	_ = 	snop  }
0x90: {  	s2 =	sld [smem:$0x3FD0];
	(tm) =	ssettm $0x1  }
0x91: {  	s18 =	sld [smem:$0x3FFB];
	_ =	sdelay $0x3  }
0x92: {  	_ =	strace s18  }
0x93: {  	s3 =	sld [smem:$0x3FFC];
	_ =	sdelay $0x3  }
0x94: {  	_ =	strace s3  }
0x95: {  	s3 =	sld [smem:$0x3FFD];
	_ =	sdelay $0x3  }
0x96: {  	_ =	strace s3  }
0x97: {  	_ =	strace $0x8FFFFFFF  }
0x98: {  	s19 =	sld [smem:$0x3FDB];
	_ =	sdelay $0x1  }
0x99: {  	s4 =	simm.s32 $_scs_section_size  }
0x9a: {  	s5 =	simm.s32 $_size__tile_overlayer_lowered;
	s6 =	simm.s32 $_tile_overlayer_lowered  }
0x9b: {  	s22 =	simm.s32 $0x1BFF;
	s21 =	sshll.u32 s6, $0x1;
	s3 =	sadd.s32 s4, s19  }
0x9c: {  	s7 =	simm.s32 $0x0;
	s20 =	sshll.u32 s5, $0x1;
	s5 =	sadd.s32 s21, s3  }
0x9d: {  	[timem:s7], [sflag:s22] =	dma.local [hbm:s5], s20  }
0x9e: {  	_ =	swait.ge [sflag:s22], s20  }
0x9f: {  	s4 =	ssub.s32 $0x0, s20;
	[sflag:s22] =	ssyncset.done $0x0  }
0xa0: {  	[sflag:s22] =	ssyncadd.s32 s4;
	_ =	sdelay $0x1  }
0xa1: {  	s23 =	simm.s32 $0x1B8B  }
0xa2: {  	_ =	swait.ge [sflag:s23], $0x1  }
0xa3: {  	[sflag:s23] =	ssyncset.done $0x0  }
0xa4: {  	s25 =	simm.s32 $0x1B8E;
	s24 =	sld [smem:$0x3FFE];
	[sflag:s23] =	ssyncadd.s32 $0xFFFFFFFF  }
0xa5: {  	s26 =	simm.s32 $execute0_lowered;
	[smem:$0x3FD2] =	sst s25  }
0xa6: {  	s5 =	sshll.u32 s26, $0x1;
	_ =	strace $0x80000046;
	[dreg:$0x1] =	wrdreg $0xFFFFFFFF  }
0xa7: {  	s28 =	simm.s32 $_size_execute0_lowered;
	s3 =	sadd.s32 s3, s5;
	[dreg:$0x0] =	wrdreg $0x0  }
0xa8: {  	s5 =	sshll.u32 s28, $0x1;
	[dreg:$0x2] =	wrdreg s3  }
0xa9: {  	[dreg:$0x3] =	wrdreg s5  }
0xaa: {  	[dreg:$0x4] =	wrdreg $0xC0  }
0xab: {  	_ =	task [dreg:s7], $0x5FFFF  }
0xac: {  	[dreg:$0x1] =	wrdreg $0xFFFFFFFF  }
0xad: {  	[dreg:$0x0] =	wrdreg $0x60  }
0xae: {  	[dreg:$0x2] =	wrdreg s24  }
0xaf: {  	[dreg:$0x3] =	wrdreg s2  }
0xb0: {  	[dreg:$0x4] =	wrdreg $0x9  }
0xb1: {  	_ =	task.clear_ibuf [dreg:s7], $0x5FFFF;
	_ =	strace $0x90000046  }
0xb2: {  	s29 =	simm.s32 $0x9;
	_ =	strace $0x80000048  }
0xb3: {  	_ =	swait.ge [sflag:s29], $0x1  }
0xb4: {  	[sflag:s29] =	ssyncadd.s32 $0xFFFFFFFF  }
0xb5: {  	_ =	strace $0x90000048  }
0xb6: {  	_ =	sfence  }
0xb7: {  	s30 =	sld [smem:$0x0];
	_ =	sdelay $0x2  }
0xb8: {  	s31 =	sshll.u32 s1, $0xD;
	s1 =	sshrl.u32 s1, $0x2  }
0xb9: {  	s3 =	sand.u32 $0x4000, s31;
	s1 =	sadd.s32 s1, s30  }
0xba: {  	s0 =	sor.u32 s3, s0;
	s1 =	sshll.u32 s1, $0x11  }
0xbb: {  	s0 =	sor.u32 s1, s0  }
0xbc: {  	s0 =	sadd.s32 $0x8F2B, s0  }
0xbd: {  	[sflag:s0] =	ssyncadd.remote.s32 $0x1  }
0xbe: {  	_ =	sfence.sel $0xFFFF  }
0xbf: {  	[dreg:$0x0] =	wrdreg $0xFFFFFFFF;
	(pc) =	sbr.abs _section_cstart, $3  }
0xc0: {  	[dreg:$0x1] =	wrdreg $0xFFFFFFFF  }
0xc1: {  	_ =	task.clear_ibuf [dreg:s7], $0x2FFFF;
	_ =	strace $0x9FFFFFFF  }
0xc2: {  	(tm) =	ssettm $0x7FFFFFFF  }
0xc3: {  	_ =	shalt  }
tec
execute0_lowered:
.L_overlay_start_1:
0x0: {  	(tag) =	ssettag $0x1  }
0x1: {  	s0 =	rddreg [dreg:$0x0]  }
0x2: {  	s1 =	rddreg [dreg:$0x1];
	s2 =	simm.s32 $0x0  }
0x3: {  	s3 =	srdreg.scid;
	s7 =	stileid.u32;
	s17 =	simm.s32 $0x5  }
0x4: {  	s28 =	simm.s32 $0x1;
	s4 =	sand.u32 $0x1, s3;
	s20 =	sshll.u32 s7, $0x1  }
0x5: {  	s29 =	simm.s32 $0x2;
	s30 =	simm.s32 $0x11100;
	s5 =	sor.u32 s4, s20  }
0x6: {  	s19 =	simm.s32 $0x0;
	s6 =	ssub.s32 $0x2, s4;
	s9 =	smul.u32 $0x27, s5  }
0x7: {  	[smem:$0x7FF] =	sst s2;
	s10 =	sshrl.u32 s6, $0x1;
	s5 =	smin.u32 s5, $0x2  }
0x8: {  	s8 =	sadd.s32 $0x5000, s0;
	s10 =	ssub.s32 s6, s10;
	s5 =	sadd.s32 s5, s9  }
0x9: {  	s3 =	sadd.s32 $0xA000, s0;
	s31 =	smax.u32 s10, $0x1;
	s9 =	sshll.u32 s5, $0x4  }
0xa: {  	_ =	strace $0x80000047;
	[dreg:$0xc] =	wrdreg s31;
	s12 =	sadd.s32 s8, s9  }
0xb: {  	s4 =	sadd.s32 $0x280000, s0;
	s21 =	sadd.s32 s0, s9;
	[dreg:$0x3] =	wrdreg s12  }
0xc: {  	s11 =	sadd.s32 $0x27B000, s0;
	s22 =	sadd.s32 s4, s9;
	[dreg:$0x4] =	wrdreg s21  }
0xd: {  	s23 =	sadd.s32 s11, s9;
	s9 =	sadd.s32 $0x270, s9;
	[dreg:$0x5] =	wrdreg s22  }
0xe: {  	p0 =	seq.s32 s7, $0x0;
	[dreg:$0x6] =	wrdreg s23;
	s8 =	sadd.s32 s8, s9  }
.Ltmp0:
0xf: {  	s0 =	sadd.s32 s0, s9;
	[dreg:$0x7] =	wrdreg s8;
	(pc) =	sbr.rel .LBB2_1-.Ltmp0, $4  }
0x10: {  	s6 =	simm.s32 $0x28;
	s25 =	sadd.s32 s4, s9;
	[dreg:$0x8] =	wrdreg s0  }
0x11: {  	s24 =	sshll.u32 s5, $0xB;
	s26 =	sadd.s32 s11, s9;
	[dreg:$0x9] =	wrdreg s25  }
0x12: {  	s6 =	simm.s32 @!p0 $0x27;
	[dreg:$0xa] =	wrdreg s26;
	s0 =	sadd.s32 s3, s24  }
0x13: {  	p0 =	sne.s32 s7, $0x0;
	s26 =	simm.s32 $0x5000;
	[dreg:$0xb] =	wrdreg s0  }
.LBB2_15:
0x14: {  	s0 =	simm.s32 $0x3  }
0x15: {  	_ =	swait.ge [sflag:s0], $0x4000  }
0x16: {  	[sflag:s0] =	ssyncset.done $0x0  }
0x17: {  	s7 =	simm.s32 $0x4;
	[sflag:s0] =	ssyncadd.s32 $0xFFFFC000  }
0x18: {  	_ =	swait.ge [sflag:s7], $0x4000  }
0x19: {  	s19 =	sadd.s32 $0x1, s19;
	s31 =	rddreg [dreg:$0xc]  }
0x1a: {  	p1 =	sne.s32 s19, s31  }
.Ltmp1:
0x1b: {  	_ = 	snop;
	(pc) =	sbr.rel @!p1 .LBB2_16-.Ltmp1, $3  }
0x1c: {  	_ =	sdelay $0x1  }
0x1d: {  	[sflag:s7] =	ssyncset.done $0x0  }
0x1e: {  	[sflag:s7] =	ssyncadd.s32 $0xFFFFC000  }
.LBB2_1:
0x1f: {  	s0 =	rddreg [dreg:$0x3]  }
0x20: {  	[tilespmem:s2], [sflag:$0x5] =	stream.linear.gather [hbm4b:s0+s2], $0x1380, $0x38;
	[tilespmem:$0x1D200] =	vst v63  }
0x21: {  	_ =	swait.ge [sflag:s17], $0x1380  }
0x22: {  	[sflag:s17] =	ssyncset.done $0x0  }
0x23: {  	s10 =	simm.s32 $0x1400;
	s15 =	rddreg [dreg:$0x4];
	[sflag:s17] =	ssyncadd.s32 $0xFFFFEC80  }
0x24: {  	[tilespmem:s10], [sflag:$0x5] =	stream.linear.gather [hbm4b:s15+s2], $0x1380, $0x38;
	[tilespmem:$0x1D200] =	vst v63  }
0x25: {  	_ =	swait.ge [sflag:s17], $0x1380  }
0x26: {  	[sflag:s17] =	ssyncset.done $0x0  }
0x27: {  	s7 =	simm.s32 $0x2800;
	s16 =	rddreg [dreg:$0x5];
	[sflag:s17] =	ssyncadd.s32 $0xFFFFEC80  }
0x28: {  	[tilespmem:s7], [sflag:$0x5] =	stream.linear.gather [hbm4b:s16+s2], $0x1380, $0x38;
	[tilespmem:$0x1D200] =	vst v63  }
0x29: {  	_ =	swait.ge [sflag:s17], $0x1380  }
0x2a: {  	[sflag:s17] =	ssyncset.done $0x0  }
0x2b: {  	s20 =	simm.s32 $0x3C00;
	s18 =	rddreg [dreg:$0x6];
	[sflag:s17] =	ssyncadd.s32 $0xFFFFEC80  }
0x2c: {  	[tilespmem:s20], [sflag:$0x5] =	stream.linear.gather [hbm4b:s18+s2], $0x1380, $0x38;
	[tilespmem:$0x1D200] =	vst v63  }
0x2d: {  	_ =	swait.ge [sflag:s17], $0x1380  }
0x2e: {  	s8 =	simm.s32 @!p0 $0x1380;
	[sflag:s17] =	ssyncset.done $0x0  }
0x2f: {  	s7 =	simm.s32 @!p0 $0x0;
	s0 =	rddreg [dreg:$0x7];
	[sflag:s17] =	ssyncadd.s32 $0xFFFFEC80  }
0x30: {  	[tilespmem:s8], [sflag:$0x5] =	stream.linear.gather @!p0 [hbm4b:s0+s7], $0x80, $0x38;
	[tilespmem:$0x1D200] =	vst v63  }
0x31: {  	s8 =	simm.s32 @!p0 $0x5  }
0x32: {  	_ =	swait.ge @!p0 [sflag:s8], $0x80  }
0x33: {  	[sflag:s8] =	ssyncset.done @!p0 $0x0  }
0x34: {  	s9 =	simm.s32 @!p0 $0x2780;
	s0 =	rddreg [dreg:$0x8];
	[sflag:s8] =	ssyncadd.s32 @!p0 $0xFFFFFF80  }
0x35: {  	[tilespmem:s9], [sflag:$0x5] =	stream.linear.gather @!p0 [hbm4b:s0+s7], $0x80, $0x38;
	[tilespmem:$0x1D200] =	vst v63  }
0x36: {  	_ =	swait.ge @!p0 [sflag:s8], $0x80  }
0x37: {  	[sflag:s8] =	ssyncset.done @!p0 $0x0  }
0x38: {  	s9 =	simm.s32 @!p0 $0x3B80;
	s0 =	rddreg [dreg:$0x9];
	[sflag:s8] =	ssyncadd.s32 @!p0 $0xFFFFFF80  }
0x39: {  	[tilespmem:s9], [sflag:$0x5] =	stream.linear.gather @!p0 [hbm4b:s0+s7], $0x80, $0x38;
	[tilespmem:$0x1D200] =	vst v63  }
0x3a: {  	_ =	swait.ge @!p0 [sflag:s8], $0x80  }
0x3b: {  	[sflag:s8] =	ssyncset.done @!p0 $0x0  }
0x3c: {  	s9 =	simm.s32 @!p0 $0x4F80;
	s0 =	rddreg [dreg:$0xa];
	[sflag:s8] =	ssyncadd.s32 @!p0 $0xFFFFFF80  }
0x3d: {  	[tilespmem:s9], [sflag:$0x5] =	stream.linear.gather @!p0 [hbm4b:s0+s7], $0x80, $0x38;
	[tilespmem:$0x1D200] =	vst v63  }
0x3e: {  	_ =	swait.ge @!p0 [sflag:s8], $0x80  }
0x3f: {  	[sflag:s8] =	ssyncset.done @!p0 $0x0  }
0x40: {  	s21 =	simm.s32 $0x80;
	s22 =	simm.s32 $0x9000;
	[sflag:s8] =	ssyncadd.s32 @!p0 $0xFFFFFF80  }
0x41: {  	[tilespmem:s22], [sflag:$0x1] =	stream.indirect.gather [hbm4b:s3+s21], $0x80, s10, s21, $0xb8;
	[tilespmem:$0x1D200] =	vst v63  }
0x42: {  	s23 =	simm.s32 $0x11000  }
0x43: {  	[tilespmem:s23], [sflag:$0x1] =	stream.indirect.gather [hbm4b:s4+s21], $0x1, s2, s21, $0xb8;
	[tilespmem:$0x1D200] =	vst v63  }
0x44: {  	s24 =	simm.s32 $0x11080  }
0x45: {  	[tilespmem:s24], [sflag:$0x1] =	stream.indirect.gather [hbm4b:s4+s21], $0x1, s10, s21, $0xb8;
	[tilespmem:$0x1D200] =	vst v63  }
.Ltmp2:
0x46: {  	_ = 	snop;
	(pc) =	sbr.rel .LBB2_2-.Ltmp2, $4  }
0x47: {  	s31 =	simm.s32 $0xD000;
	s25 =	rddreg [dreg:$0xb]  }
0x48: {  	[tilespmem:s31], [sflag:$0x1] =	stream.linear.gather [hbm4b:s25+s2], $0x4000, $0x38;
	[tilespmem:$0x1D200] =	vst v63  }
0x49: {  	s20 =	simm.s32 $0x0  }
0x4a: {  	[tilespmem:s26], [sflag:$0x1] =	stream.indirect.gather [hbm4b:s3+s21], $0x80, s2, s21, $0xb8;
	[tilespmem:$0x1D200] =	vst v63  }
.LBB2_14:
0x4b: {  	s20 =	sadd.s32 $0x1, s20  }
0x4c: {  	p1 =	sne.s32 s20, $0x14  }
.Ltmp3:
0x4d: {  	_ = 	snop;
	(pc) =	sbr.rel @!p1 .LBB2_15-.Ltmp3, $1  }
0x4e: {  	_ =	sdelay $0x3  }
.LBB2_2:
0x4f: {  	s22 =	sshllo.u32 s20, $0x1  }
0x50: {  	p1 =	sge.u32 s22, s6  }
0x51: {  	s7 =	sshll.u32 @!p1 s22, $0x7  }
0x52: {  	s9 =	simm.s32 @!p1 $0x80;
	s10 =	simm.s32 @!p1 $0x15100;
	s8 =	sadd.s32 @!p1 $0x1400, s7  }
0x53: {  	[tilespmem:s10], [sflag:$0x2] =	stream.indirect.gather @!p1 [hbm4b:s3+s9], $0x80, s8, s9, $0xb8;
	[tilespmem:$0x1D200] =	vst v63  }
0x54: {  	s10 =	simm.s32 @!p1 $0x1D100  }
0x55: {  	[tilespmem:s10], [sflag:$0x2] =	stream.indirect.gather @!p1 [hbm4b:s4+s9], $0x1, s7, s9, $0xb8;
	[tilespmem:$0x1D200] =	vst v63  }
0x56: {  	s10 =	simm.s32 @!p1 $0x1D180  }
0x57: {  	[tilespmem:s10], [sflag:$0x2] =	stream.indirect.gather @!p1 [hbm4b:s4+s9], $0x1, s8, s9, $0xb8;
	[tilespmem:$0x1D200] =	vst v63  }
0x58: {  	s8 =	sadd.s32 @!p1 s5, s22  }
0x59: {  	s8 =	sshll.u32 @!p1 s8, $0xB  }
0x5a: {  	s11 =	simm.s32 @!p1 $0x19100;
	p2 =	seq.s32 @!p1 s20, $0x0;
	s8 =	sand.u32 @!p1 $0x1FFFF800, s8  }
0x5b: {  	p2 =	por p2, p1;
	s10 =	simm.s32 @!p1 $0x0;
	s8 =	sadd.s32 @!p1 s3, s8  }
0x5c: {  	[tilespmem:s11], [sflag:$0x2] =	stream.linear.gather @!p1 [hbm4b:s8+s10], $0x4000, $0x38;
	[tilespmem:$0x1D200] =	vst v63  }
0x5d: {  	s8 =	simm.s32 @!p2 $0x4  }
0x5e: {  	_ =	swait.ge @!p2 [sflag:s8], $0x4000  }
0x5f: {  	s23 =	sshll.u32 s20, $0x1;
	[sflag:s8] =	ssyncset.done @!p2 $0x0  }
0x60: {  	[sflag:s8] =	ssyncadd.s32 @!p2 $0xFFFFC000;
	p2 =	sge.u32 s23, s6  }
.Ltmp4:
0x61: {  	_ = 	snop;
	(pc) =	sbr.rel @p2 .LBB2_8-.Ltmp4, $3  }
0x62: {  	_ =	sdelay $0x1  }
0x63: {  	s8 =	simm.s32 @!p1 $0x11100  }
0x64: {  	[tilespmem:s8], [sflag:$0x2] =	stream.indirect.gather @!p1 [hbm4b:s3+s9], $0x80, s7, s9, $0xb8;
	[tilespmem:$0x1D200] =	vst v63  }
0x65: {  	_ =	swait.ge [sflag:s28], $0x4000  }
0x66: {  	[sflag:s28] =	ssyncset.done $0x0  }
0x67: {  	[sflag:s28] =	ssyncadd.s32 $0xFFFFC000  }
0x68: {  	_ =	swait.ge [sflag:s28], $0x4000  }
0x69: {  	[sflag:s28] =	ssyncset.done $0x0  }
0x6a: {  	[sflag:s28] =	ssyncadd.s32 $0xFFFFC000  }
0x6b: {  	_ =	swait.ge [sflag:s28], $0x80  }
0x6c: {  	[sflag:s28] =	ssyncset.done $0x0  }
0x6d: {  	[sflag:s28] =	ssyncadd.s32 $0xFFFFFF80  }
0x6e: {  	_ =	swait.ge [sflag:s28], $0x80  }
0x6f: {  	[sflag:s28] =	ssyncset.done $0x0  }
0x70: {  	[sflag:s28] =	ssyncadd.s32 $0xFFFFFF80  }
0x71: {  	s7 =	sshll.u32 s20, $0x8;
	s24 =	simm.s32 $0x0;
	_ =	swait.ge [sflag:s28], $0x4000  }
0x72: {  	s12 =	simm.s32 $0x9100;
	s15 =	simm.s32 $0xD100;
	[sflag:s28] =	ssyncset.done $0x0  }
0x73: {  	s10 =	simm.s32 $0x5100;
	s9 =	simm.s32 $0x0;
	v0 =	vmov s7;
	[sflag:s28] =	ssyncadd.s32 $0xFFFFC000  }
.LBB2_4:
0x74: {  	_ =	sdelay $0x1  }
0x75: {  	s7 =	sshll.u32 s9, $0x4  }
0x76: {  	v1 =	vld [tilespmem:s7+$0x11080]  }
0x77: {  	v2 =	vld.idx.msk [tilespmem:v0+s7+$0x2800 ss:$0x1], $0xffff  }
0x78: {  	v3 =	vld.idx.msk [tilespmem:v0+s7+$0x3C00 ss:$0x1], $0xffff  }
0x79: {  	v4 =	vld [tilespmem:s7+$0x11000];
	_ =	sdelay $0x3  }
0x7a: {  	v1 =	vadd.f32 v3, v1;
	v2 =	vadd.f32 v3, v2  }
0x7b: {  	v3 =	vadd.f32 v3, v4  }
0x7c: {  	v4 =	vmul.f32 $2.000000030e-01, v1;
	v5 =	vmul.f32 $2.000000030e-01, v2  }
0x7d: {  	v6 =	vmul.f32 $2.000000030e-01, v3;
	vm0 =	vgt.f32 v1, $0.0e+00;
	vm1 =	vgt.f32 v2, $0.0e+00  }
0x7e: {  	vm15 =	vgt.f32 v3, $0.0e+00;
	v1 =	vsel vm0, v1, v4;
	v2 =	vsel vm1, v2, v5  }
0x7f: {  	v3 =	vsel vm15, v3, v6;
	v4 =	vmax.f32 v1, v2  }
0x80: {  	v4 =	vmax.f32 v3, v4  }
0x81: {  	v3 =	vsub.f32 v3, v4  }
0x82: {  	v1 =	vsub.f32 v1, v4  }
0x83: {  	v3 =	vmul.f32 $1.442695020e+00, v3  }
0x84: {  	v2 =	vsub.f32 v2, v4;
	v1 =	vmul.f32 $1.442695020e+00, v1  }
0x85: {  	(erf) = vpow2.f32 v3  }
0x86: {  	(erf) = vpow2.f32 v1;
	v1 =	vmul.f32 $1.442695020e+00, v2;
	_ =	sdelay $0x1  }
0x87: {  	(erf) = vpow2.f32 v1;
	_ =	sdelay $0x5  }
0x88: {  	v1 =	vpop (erf)  }
0x89: {  	v2 =	vpop (erf)  }
0x8a: {  	v3 =	vadd.f32 v2, v1  }
0x8b: {  	v4 =	vpop (erf)  }
0x8c: {  	v3 =	vadd.f32 v3, v4;
	_ =	sdelay $0x1  }
0x8d: {  	v3 =	vadd.f32 $1.000000020e-16, v3;
	_ =	sdelay $0x1  }
0x8e: {  	(erf) = vrcp.f32 v3;
	_ =	sdelay $0x8  }
0x8f: {  	s25 =	simm.s32 $0x1;
	v3 =	vpop (erf)  }
0x90: {  	s31 =	simm.s32 $0x2;
	v13 =	vld [tilespmem:s12+$0x0];
	v7 =	vmul.f32 v3, v1;
	v1 =	vmov s25  }
0x91: {  	s8 =	simm.s32 $0x3;
	v15 =	vld [tilespmem:s12+$0xFFFFFF80];
	v8 =	vmul.f32 v3, v2;
	v2 =	vmov s31;
	v1 =	vand.u32 $0xF, v1  }
0x92: {  	v10 =	vmov s8;
	v5 =	vld [tilespmem:s10+$0x0];
	v12 =	vbroadcast v1, $0x0;
	v1 =	vand.u32 $0xF, v2  }
0x93: {  	v6 =	vld [tilespmem:s10+$0xFFFFFF80];
	v9 =	vmul.f32 v3, v4;
	v2 =	vand.u32 $0xF, v10;
	v4 =	vbroadcast v1, $0x0  }
0x94: {  	v14 =	vld [tilespmem:s15+$0x0];
	v16 =	vbroadcast v2, $0x0;
	v3 =	vperm.xlane v8, v12  }
0x95: {  	v1 =	vperm.xlane v7, v4;
	v11 =	vperm.xlane v8, v4  }
0x96: {  	v17 =	vld [tilespmem:s15+$0xFFFFFF80];
	v10 =	vperm.xlane v7, v12;
	v2 =	vperm.xlane v9, v4  }
0x97: {  	v19 =	vld [tilespmem:s10+$0x80];
	v4 =	vmul.f32 v5, v1;
	v13 =	vmul.f32 v13, v11  }
0x98: {  	v18 =	vld [tilespmem:s12+$0x80];
	v6 =	vmul.f32 v6, v10;
	v15 =	vmul.f32 v15, v3  }
0x99: {  	v14 =	vmul.f32 v14, v2;
	v5 =	vperm.xlane v9, v12;
	v13 =	vadd.f32 v13, v4  }
0x9a: {  	v20 =	vld [tilespmem:s15+$0x80];
	v12 =	vperm.xlane v7, v16;
	v15 =	vadd.f32 v15, v6  }
0x9b: {  	v4 =	vperm.xlane v8, v16;
	v17 =	vmul.f32 v17, v5;
	v13 =	vadd.f32 v14, v13  }
0x9c: {  	v6 =	vperm.xlane v9, v16;
	v16 =	vmul.f32 v19, v12;
	v19 =	vld [tilespmem:s10+$0xFFFFFF90]  }
0x9d: {  	v14 =	vld [tilespmem:s10+$0x10];
	v18 =	vmul.f32 v18, v4;
	v15 =	vadd.f32 v17, v15;
	[tilespmem:s10+$0x0] =	vst v13  }
0x9e: {  	v13 =	vld [tilespmem:s12+$0x10]  }
0x9f: {  	v17 =	vmul.f32 v20, v6;
	v16 =	vadd.f32 v18, v16;
	[tilespmem:s10+$0xFFFFFF80] =	vst v15;
	v15 =	vld [tilespmem:s15+$0x10]  }
0xa0: {  	v18 =	vld [tilespmem:s12+$0xFFFFFF90]  }
0xa1: {  	v16 =	vadd.f32 v17, v16  }
0xa2: {  	v20 =	vld [tilespmem:s15+$0xFFFFFF90]  }
0xa3: {  	v17 =	vld [tilespmem:s10+$0x90];
	v14 =	vmul.f32 v14, v1;
	[tilespmem:s10+$0x80] =	vst v16;
	v13 =	vmul.f32 v13, v11  }
0xa4: {  	v16 =	vmul.f32 v19, v10;
	v19 =	vld [tilespmem:s12+$0x90]  }
0xa5: {  	v15 =	vmul.f32 v15, v2;
	v18 =	vmul.f32 v18, v3;
	v13 =	vadd.f32 v13, v14  }
0xa6: {  	v14 =	vld [tilespmem:s15+$0x90]  }
0xa7: {  	v20 =	vmul.f32 v20, v5;
	v16 =	vadd.f32 v18, v16;
	v13 =	vadd.f32 v15, v13  }
0xa8: {  	v15 =	vld [tilespmem:s10+$0x20]  }
0xa9: {  	v17 =	vmul.f32 v17, v12;
	v18 =	vmul.f32 v19, v4;
	v16 =	vadd.f32 v20, v16;
	v19 =	vld [tilespmem:s10+$0xFFFFFFA0];
	[tilespmem:s10+$0x10] =	vst v13  }
0xaa: {  	v13 =	vld [tilespmem:s12+$0x20]  }
0xab: {  	v17 =	vadd.f32 v18, v17;
	[tilespmem:s10+$0xFFFFFF90] =	vst v16;
	v14 =	vmul.f32 v14, v6;
	v16 =	vld [tilespmem:s15+$0x20]  }
0xac: {  	v18 =	vld [tilespmem:s12+$0xFFFFFFA0]  }
0xad: {  	v14 =	vadd.f32 v14, v17  }
0xae: {  	v17 =	vld [tilespmem:s15+$0xFFFFFFA0]  }
0xaf: {  	v20 =	vld [tilespmem:s10+$0xA0];
	v15 =	vmul.f32 v15, v1;
	[tilespmem:s10+$0x90] =	vst v14;
	v13 =	vmul.f32 v13, v11  }
0xb0: {  	v19 =	vmul.f32 v19, v10;
	v14 =	vld [tilespmem:s12+$0xA0]  }
0xb1: {  	v16 =	vmul.f32 v16, v2;
	v18 =	vmul.f32 v18, v3;
	v13 =	vadd.f32 v13, v15  }
0xb2: {  	v15 =	vld [tilespmem:s15+$0xA0]  }
0xb3: {  	v18 =	vadd.f32 v18, v19;
	v17 =	vmul.f32 v17, v5;
	v13 =	vadd.f32 v16, v13  }
0xb4: {  	v16 =	vld [tilespmem:s10+$0x30]  }
0xb5: {  	v19 =	vmul.f32 v20, v12;
	v17 =	vadd.f32 v17, v18;
	v18 =	vld [tilespmem:s10+$0xFFFFFFB0];
	v14 =	vmul.f32 v14, v4;
	[tilespmem:s10+$0x20] =	vst v13  }
0xb6: {  	v13 =	vld [tilespmem:s12+$0x30]  }
0xb7: {  	[tilespmem:s10+$0xFFFFFFA0] =	vst v17;
	v14 =	vadd.f32 v14, v19;
	v15 =	vmul.f32 v15, v6;
	v17 =	vld [tilespmem:s15+$0x30]  }
0xb8: {  	v19 =	vld [tilespmem:s12+$0xFFFFFFB0]  }
0xb9: {  	v14 =	vadd.f32 v15, v14  }
0xba: {  	v15 =	vld [tilespmem:s15+$0xFFFFFFB0]  }
0xbb: {  	v20 =	vld [tilespmem:s10+$0xB0];
	v16 =	vmul.f32 v16, v1;
	[tilespmem:s10+$0xA0] =	vst v14;
	v13 =	vmul.f32 v13, v11  }
0xbc: {  	v18 =	vmul.f32 v18, v10;
	v14 =	vld [tilespmem:s12+$0xB0]  }
0xbd: {  	v17 =	vmul.f32 v17, v2;
	v19 =	vmul.f32 v19, v3;
	v13 =	vadd.f32 v13, v16  }
0xbe: {  	v16 =	vld [tilespmem:s15+$0xB0]  }
0xbf: {  	v15 =	vmul.f32 v15, v5;
	v18 =	vadd.f32 v19, v18;
	v13 =	vadd.f32 v17, v13  }
0xc0: {  	v17 =	vld [tilespmem:s10+$0x40]  }
0xc1: {  	v19 =	vmul.f32 v20, v12;
	v15 =	vadd.f32 v15, v18;
	v18 =	vld [tilespmem:s10+$0xFFFFFFC0];
	v14 =	vmul.f32 v14, v4;
	[tilespmem:s10+$0x30] =	vst v13  }
0xc2: {  	v13 =	vld [tilespmem:s12+$0x40]  }
0xc3: {  	[tilespmem:s10+$0xFFFFFFB0] =	vst v15;
	v16 =	vmul.f32 v16, v6;
	v14 =	vadd.f32 v14, v19;
	v15 =	vld [tilespmem:s15+$0x40]  }
0xc4: {  	v19 =	vld [tilespmem:s12+$0xFFFFFFC0]  }
0xc5: {  	v14 =	vadd.f32 v16, v14  }
0xc6: {  	v16 =	vld [tilespmem:s15+$0xFFFFFFC0]  }
0xc7: {  	v20 =	vld [tilespmem:s10+$0xC0];
	v17 =	vmul.f32 v17, v1;
	[tilespmem:s10+$0xB0] =	vst v14;
	v13 =	vmul.f32 v13, v11  }
0xc8: {  	v14 =	vmul.f32 v18, v10;
	v18 =	vld [tilespmem:s12+$0xC0]  }
0xc9: {  	v15 =	vmul.f32 v15, v2;
	v19 =	vmul.f32 v19, v3;
	v13 =	vadd.f32 v13, v17  }
0xca: {  	v17 =	vld [tilespmem:s15+$0xC0]  }
0xcb: {  	v16 =	vmul.f32 v16, v5;
	v14 =	vadd.f32 v19, v14;
	v13 =	vadd.f32 v15, v13  }
0xcc: {  	v15 =	vld [tilespmem:s10+$0x50]  }
0xcd: {  	v19 =	vmul.f32 v20, v12;
	v14 =	vadd.f32 v16, v14;
	v16 =	vld [tilespmem:s10+$0xFFFFFFD0];
	v18 =	vmul.f32 v18, v4;
	[tilespmem:s10+$0x40] =	vst v13  }
0xce: {  	v13 =	vld [tilespmem:s12+$0x50]  }
0xcf: {  	[tilespmem:s10+$0xFFFFFFC0] =	vst v14;
	v17 =	vmul.f32 v17, v6;
	v18 =	vadd.f32 v18, v19;
	v14 =	vld [tilespmem:s15+$0x50]  }
0xd0: {  	v19 =	vld [tilespmem:s12+$0xFFFFFFD0]  }
0xd1: {  	v17 =	vadd.f32 v17, v18  }
0xd2: {  	v18 =	vld [tilespmem:s15+$0xFFFFFFD0]  }
0xd3: {  	v20 =	vld [tilespmem:s10+$0xD0];
	v15 =	vmul.f32 v15, v1;
	[tilespmem:s10+$0xC0] =	vst v17;
	v13 =	vmul.f32 v13, v11  }
0xd4: {  	v16 =	vmul.f32 v16, v10;
	v17 =	vld [tilespmem:s12+$0xD0]  }
0xd5: {  	v14 =	vmul.f32 v14, v2;
	v19 =	vmul.f32 v19, v3;
	v13 =	vadd.f32 v13, v15  }
0xd6: {  	v15 =	vld [tilespmem:s15+$0xD0]  }
0xd7: {  	v18 =	vmul.f32 v18, v5;
	v16 =	vadd.f32 v19, v16;
	v13 =	vadd.f32 v14, v13  }
0xd8: {  	v14 =	vld [tilespmem:s10+$0x60]  }
0xd9: {  	v19 =	vmul.f32 v20, v12;
	v16 =	vadd.f32 v18, v16;
	v18 =	vld [tilespmem:s10+$0xFFFFFFE0];
	v17 =	vmul.f32 v17, v4;
	[tilespmem:s10+$0x50] =	vst v13  }
0xda: {  	v13 =	vld [tilespmem:s12+$0x60]  }
0xdb: {  	[tilespmem:s10+$0xFFFFFFD0] =	vst v16;
	v15 =	vmul.f32 v15, v6;
	v17 =	vadd.f32 v17, v19;
	v16 =	vld [tilespmem:s15+$0x60]  }
0xdc: {  	v19 =	vld [tilespmem:s12+$0xFFFFFFE0]  }
0xdd: {  	v15 =	vadd.f32 v15, v17  }
0xde: {  	v17 =	vld [tilespmem:s15+$0xFFFFFFE0]  }
0xdf: {  	v20 =	vld [tilespmem:s10+$0xE0];
	v14 =	vmul.f32 v14, v1;
	[tilespmem:s10+$0xD0] =	vst v15;
	v13 =	vmul.f32 v13, v11  }
0xe0: {  	v15 =	vmul.f32 v18, v10;
	v18 =	vld [tilespmem:s12+$0xE0]  }
0xe1: {  	v25 =	vld [tilespmem:s10+$0xFFFFFFF0];
	v16 =	vmul.f32 v16, v2;
	v19 =	vmul.f32 v19, v3;
	v13 =	vadd.f32 v13, v14  }
0xe2: {  	v21 =	vld [tilespmem:s15+$0xE0]  }
0xe3: {  	v22 =	vld [tilespmem:s10+$0xFFFFFF10];
	v17 =	vmul.f32 v17, v5;
	v15 =	vadd.f32 v19, v15;
	v13 =	vadd.f32 v16, v13  }
0xe4: {  	v23 =	vld [tilespmem:s15+$0xFFFFFF00]  }
0xe5: {  	v14 =	vld [tilespmem:s10+$0xF0];
	v16 =	vmul.f32 v20, v12;
	v15 =	vadd.f32 v17, v15;
	v18 =	vmul.f32 v18, v4;
	[tilespmem:s10+$0x60] =	vst v13  }
0xe6: {  	v17 =	vld [tilespmem:s12+$0x70]  }
0xe7: {  	v19 =	vmov s24;
	v13 =	vmul.f32 v21, v6;
	[tilespmem:s10+$0xFFFFFFE0] =	vst v15;
	v18 =	vadd.f32 v18, v16;
	v16 =	vld [tilespmem:s15+$0x70]  }
0xe8: {  	v15 =	vand.u32 $0xF, v19;
	v20 =	vld [tilespmem:s12+$0xFFFFFFF0]  }
0xe9: {  	s16 =	simm.s32 $0x4;
	v24 =	vbroadcast v15, $0x0;
	v19 =	vld [tilespmem:s15+$0xFFFFFFF0];
	v13 =	vadd.f32 v13, v18  }
0xea: {  	s13 =	sadd.s32 $0x200, s12;
	s14 =	sadd.s32 $0x200, s10;
	s11 =	smov.u32 s15;
	v21 =	vmul.f32 v14, v12;
	v15 =	vld [tilespmem:s12+$0xFFFFFF00];
	v18 =	vmul.f32 v25, v10  }
0xeb: {  	s7 =	smov.u32 s15;
	s8 =	smov.u32 s10;
	s25 =	smov.u32 s12;
	v10 =	vperm.xlane v9, v24;
	[tilespmem:s10+$0xE0] =	vst v13;
	v13 =	vld [tilespmem:s10+$0xFFFFFF00];
	v17 =	vmul.f32 v17, v11  }
.LBB2_5:
0xec: {  	s0 =	sadd.s32 $0x1, s16  }
0xed: {  	v25 =	vld [tilespmem:s14+$0x0];
	s21 =	sadd.s32 $0x3, s16;
	v12 =	vperm.xlane v7, v24;
	v11 =	vperm.xlane v8, v24;
	s18 =	smov.u32 s16;
	s31 =	sadd.s32 $0x4, s16  }
0xee: {  	p2 =	slt.u32 s16, $0xC;
	v14 =	vmov s0;
	v24 =	vld [tilespmem:s13+$0xFFFFFF80];
	s0 =	sadd.s32 $0x2, s18;
	v26 =	vmov s21;
	v23 =	vmul.f32 v23, v10  }
0xef: {  	v14 =	vand.u32 $0xF, v14;
	v27 =	vld [tilespmem:s14+$0xFFFFFF80];
	v28 =	vmov s0;
	v26 =	vand.u32 $0xF, v26  }
0xf0: {  	s11 =	sadd.s32 $0x200, s11;
	v29 =	vbroadcast v14, $0x0;
	v14 =	vand.u32 $0xF, v28;
	v26 =	vbroadcast v26, $0x0;
	v28 =	vld [tilespmem:s13+$0x80]  }
0xf1: {  	v30 =	vbroadcast v14, $0x0;
	v31 =	vld [tilespmem:s14+$0x80];
	v14 =	vmul.f32 v13, v12  }
0xf2: {  	v15 =	vmul.f32 v15, v11;
	v32 =	vld [tilespmem:s13+$0x0];
	v13 =	vperm.xlane v7, v26  }
0xf3: {  	v33 =	vperm.xlane v8, v26;
	v26 =	vperm.xlane v9, v26;
	v34 =	vld [tilespmem:s11+$0x80]  }
0xf4: {  	v35 =	vperm.xlane v8, v29;
	v36 =	vperm.xlane v7, v30;
	v38 =	vadd.f32 v15, v14;
	v37 =	vld [tilespmem:s11+$0x0]  }
0xf5: {  	v14 =	vperm.xlane v8, v30;
	v30 =	vperm.xlane v9, v30;
	v39 =	vld [tilespmem:s25+$0xF0]  }
0xf6: {  	v15 =	vperm.xlane v7, v29;
	v23 =	vadd.f32 v23, v38;
	v31 =	vmul.f32 v31, v13;
	v38 =	vld [tilespmem:s7+$0xF0]  }
0xf7: {  	v25 =	vmul.f32 v25, v36;
	v28 =	vmul.f32 v28, v33;
	v40 =	vld [tilespmem:s11+$0xFFFFFF80]  }
0xf8: {  	v32 =	vmul.f32 v32, v14;
	v41 =	vld [tilespmem:s14+$0xFFFFFF90];
	v34 =	vmul.f32 v34, v26;
	[tilespmem:s8+$0xFFFFFF00] =	vst v23  }
0xf9: {  	v23 =	vmul.f32 v27, v15;
	v28 =	vadd.f32 v28, v31;
	v27 =	vmul.f32 v37, v30;
	v31 =	vld [tilespmem:s25+$0xFFFFFF10]  }
0xfa: {  	v29 =	vperm.xlane v9, v29;
	v24 =	vmul.f32 v24, v35;
	v25 =	vadd.f32 v32, v25;
	v32 =	vld [tilespmem:s7+$0xFFFFFF10]  }
0xfb: {  	v28 =	vadd.f32 v34, v28;
	v34 =	vmul.f32 v39, v4;
	v4 =	vmovc v33;
	v37 =	vld [tilespmem:s14+$0x10];
	v38 =	vmul.f32 v38, v6  }
0xfc: {  	v23 =	vadd.f32 v24, v23;
	v25 =	vadd.f32 v27, v25;
	v6 =	vmovc v26;
	v24 =	vmul.f32 v40, v29;
	v27 =	vld [tilespmem:s14+$0x90]  }
0xfd: {  	v33 =	vmul.f32 v20, v3;
	v21 =	vadd.f32 v34, v21;
	v26 =	vmul.f32 v41, v15;
	[tilespmem:s14+$0x80] =	vst v28;
	v20 =	vld [tilespmem:s8+$0x70]  }
0xfe: {  	v22 =	vmul.f32 v22, v12;
	v23 =	vadd.f32 v24, v23;
	[tilespmem:s14+$0x0] =	vst v25;
	v24 =	vld [tilespmem:s13+$0x90];
	v25 =	vmul.f32 v31, v11  }
0xff: {  	v3 =	vmovc v35;
	v18 =	vadd.f32 v33, v18;
	v33 =	vmul.f32 v19, v5;
	v19 =	vadd.f32 v38, v21;
	v28 =	vld [tilespmem:s13+$0x10]  }
0x100: {  	[tilespmem:s14+$0xFFFFFF80] =	vst v23;
	v21 =	vmul.f32 v37, v36;
	v23 =	vld [tilespmem:s11+$0x10];
	v22 =	vadd.f32 v25, v22;
	v25 =	vmul.f32 v32, v10  }
0x101: {  	v5 =	vmov v29;
	v18 =	vadd.f32 v33, v18;
	v31 =	vld [tilespmem:s13+$0xFFFFFF90];
	v27 =	vmul.f32 v27, v13;
	[tilespmem:s8+$0xF0] =	vst v19  }
0x102: {  	v19 =	vld [tilespmem:s11+$0xFFFFFF90];
	v22 =	vadd.f32 v25, v22;
	v20 =	vmul.f32 v20, v1;
	v1 =	vmov v36  }
0x103: {  	v24 =	vmul.f32 v24, v4;
	v25 =	vld [tilespmem:s11+$0x90];
	[tilespmem:s8+$0xFFFFFFF0] =	vst v18  }
0x104: {  	v16 =	vmul.f32 v16, v2;
	v18 =	vmul.f32 v28, v14;
	[tilespmem:s8+$0xFFFFFF10] =	vst v22;
	v22 =	vld [tilespmem:s8+$0xFFFFFF20];
	v17 =	vadd.f32 v17, v20  }
0x105: {  	v2 =	vmov v30;
	v20 =	vmul.f32 v23, v30;
	v23 =	vadd.f32 v24, v27;
	v24 =	vld [tilespmem:s25+$0xFFFFFF20]  }
0x106: {  	v27 =	vmul.f32 v31, v3;
	v18 =	vadd.f32 v18, v21;
	v21 =	vld [tilespmem:s7+$0xFFFFFF20];
	v16 =	vadd.f32 v16, v17  }
0x107: {  	v17 =	vmul.f32 v19, v5;
	v19 =	vld [tilespmem:s14+$0x20]  }
0x108: {  	v26 =	vadd.f32 v27, v26;
	v18 =	vadd.f32 v20, v18;
	v20 =	vmul.f32 v25, v6;
	v25 =	vld [tilespmem:s14+$0xA0];
	[tilespmem:s8+$0x70] =	vst v16  }
0x109: {  	v16 =	vmul.f32 v22, v12;
	v22 =	vld [tilespmem:s8+$0xFFFFFF30]  }
0x10a: {  	v17 =	vadd.f32 v17, v26;
	v26 =	vld [tilespmem:s14+$0xFFFFFFA0];
	[tilespmem:s14+$0x10] =	vst v18;
	v18 =	vadd.f32 v20, v23;
	v20 =	vmul.f32 v24, v11  }
0x10b: {  	v23 =	vld [tilespmem:s13+$0x20]  }
0x10c: {  	[tilespmem:s14+$0xFFFFFF90] =	vst v17;
	v17 =	vmul.f32 v19, v1;
	v19 =	vld [tilespmem:s11+$0x20];
	v16 =	vadd.f32 v20, v16;
	v20 =	vmul.f32 v21, v10  }
0x10d: {  	v21 =	vld [tilespmem:s13+$0xFFFFFFA0];
	[tilespmem:s14+$0x90] =	vst v18;
	v18 =	vmul.f32 v25, v13  }
0x10e: {  	v24 =	vld [tilespmem:s13+$0xA0];
	v16 =	vadd.f32 v20, v16  }
0x10f: {  	v20 =	vld [tilespmem:s11+$0xFFFFFFA0]  }
0x110: {  	v23 =	vmul.f32 v23, v14;
	v25 =	vld [tilespmem:s11+$0xA0];
	[tilespmem:s8+$0xFFFFFF20] =	vst v16  }
0x111: {  	v16 =	vmul.f32 v26, v15;
	v19 =	vmul.f32 v19, v2;
	v26 =	vld [tilespmem:s25+$0xFFFFFF30]  }
0x112: {  	v21 =	vmul.f32 v21, v3;
	v17 =	vadd.f32 v23, v17;
	v23 =	vld [tilespmem:s7+$0xFFFFFF30]  }
0x113: {  	v27 =	vld [tilespmem:s14+$0x30];
	v24 =	vmul.f32 v24, v4  }
0x114: {  	v16 =	vadd.f32 v21, v16;
	v20 =	vmul.f32 v20, v5;
	v17 =	vadd.f32 v19, v17;
	v19 =	vld [tilespmem:s14+$0xB0]  }
0x115: {  	v18 =	vadd.f32 v24, v18;
	v21 =	vmul.f32 v25, v6;
	v24 =	vld [tilespmem:s8+$0xFFFFFF40]  }
0x116: {  	v16 =	vadd.f32 v20, v16;
	v20 =	vld [tilespmem:s14+$0xFFFFFFB0];
	[tilespmem:s14+$0x20] =	vst v17;
	v17 =	vmul.f32 v22, v12;
	v22 =	vmul.f32 v26, v11  }
0x117: {  	v25 =	vld [tilespmem:s13+$0x30];
	v18 =	vadd.f32 v21, v18  }
0x118: {  	[tilespmem:s14+$0xFFFFFFA0] =	vst v16;
	v16 =	vmul.f32 v27, v1;
	v21 =	vld [tilespmem:s11+$0x30];
	v17 =	vadd.f32 v22, v17;
	v22 =	vmul.f32 v23, v10  }
0x119: {  	v23 =	vld [tilespmem:s13+$0xFFFFFFB0];
	[tilespmem:s14+$0xA0] =	vst v18;
	v18 =	vmul.f32 v19, v13  }
0x11a: {  	v19 =	vld [tilespmem:s11+$0xFFFFFFB0];
	v17 =	vadd.f32 v22, v17;
	v22 =	vmul.f32 v24, v12  }
0x11b: {  	v24 =	vld [tilespmem:s13+$0xB0]  }
0x11c: {  	v25 =	vmul.f32 v25, v14;
	v26 =	vld [tilespmem:s11+$0xB0];
	[tilespmem:s8+$0xFFFFFF30] =	vst v17  }
0x11d: {  	v17 =	vmul.f32 v20, v15;
	v20 =	vmul.f32 v21, v2;
	v21 =	vld [tilespmem:s25+$0xFFFFFF40]  }
0x11e: {  	v23 =	vmul.f32 v23, v3;
	v16 =	vadd.f32 v25, v16;
	v25 =	vld [tilespmem:s7+$0xFFFFFF40]  }
0x11f: {  	v19 =	vmul.f32 v19, v5;
	v27 =	vld [tilespmem:s14+$0x40]  }
0x120: {  	v17 =	vadd.f32 v23, v17;
	v16 =	vadd.f32 v20, v16;
	v20 =	vmul.f32 v24, v4;
	v23 =	vld [tilespmem:s14+$0xC0]  }
0x121: {  	v24 =	vmul.f32 v26, v6;
	v26 =	vld [tilespmem:s8+$0xFFFFFF50]  }
0x122: {  	v17 =	vadd.f32 v19, v17;
	v19 =	vld [tilespmem:s14+$0xFFFFFFC0];
	[tilespmem:s14+$0x30] =	vst v16;
	v16 =	vadd.f32 v20, v18;
	v18 =	vmul.f32 v21, v11  }
0x123: {  	v20 =	vld [tilespmem:s13+$0x40];
	v21 =	vmul.f32 v25, v10  }
0x124: {  	[tilespmem:s14+$0xFFFFFFB0] =	vst v17;
	v17 =	vmul.f32 v27, v1;
	v25 =	vld [tilespmem:s11+$0x40];
	v16 =	vadd.f32 v24, v16;
	v18 =	vadd.f32 v18, v22  }
0x125: {  	v22 =	vld [tilespmem:s13+$0xFFFFFFC0];
	v23 =	vmul.f32 v23, v13  }
0x126: {  	v24 =	vld [tilespmem:s11+$0xFFFFFFC0];
	[tilespmem:s14+$0xB0] =	vst v16;
	v16 =	vadd.f32 v21, v18  }
0x127: {  	v18 =	vmul.f32 v19, v15;
	v19 =	vld [tilespmem:s13+$0xC0]  }
0x128: {  	v20 =	vmul.f32 v20, v14;
	v21 =	vld [tilespmem:s11+$0xC0];
	[tilespmem:s8+$0xFFFFFF40] =	vst v16  }
0x129: {  	v16 =	vmul.f32 v25, v2;
	v25 =	vld [tilespmem:s25+$0xFFFFFF50]  }
0x12a: {  	v22 =	vmul.f32 v22, v3;
	v17 =	vadd.f32 v20, v17;
	v20 =	vld [tilespmem:s7+$0xFFFFFF50]  }
0x12b: {  	v24 =	vmul.f32 v24, v5;
	v27 =	vld [tilespmem:s14+$0x50]  }
0x12c: {  	v18 =	vadd.f32 v22, v18;
	v16 =	vadd.f32 v16, v17;
	v17 =	vmul.f32 v19, v4;
	v19 =	vld [tilespmem:s14+$0xD0]  }
0x12d: {  	v22 =	vmul.f32 v26, v12;
	v21 =	vmul.f32 v21, v6;
	v26 =	vld [tilespmem:s8+$0xFFFFFF60]  }
0x12e: {  	v18 =	vadd.f32 v24, v18;
	v24 =	vld [tilespmem:s14+$0xFFFFFFD0];
	[tilespmem:s14+$0x40] =	vst v16;
	v16 =	vadd.f32 v17, v23;
	v17 =	vmul.f32 v25, v11  }
0x12f: {  	v23 =	vld [tilespmem:s13+$0x50];
	v20 =	vmul.f32 v20, v10  }
0x130: {  	[tilespmem:s14+$0xFFFFFFC0] =	vst v18;
	v18 =	vmul.f32 v27, v1;
	v25 =	vld [tilespmem:s11+$0x50];
	v16 =	vadd.f32 v21, v16;
	v17 =	vadd.f32 v17, v22  }
0x131: {  	v21 =	vld [tilespmem:s13+$0xFFFFFFD0];
	v19 =	vmul.f32 v19, v13  }
0x132: {  	v22 =	vld [tilespmem:s11+$0xFFFFFFD0];
	[tilespmem:s14+$0xC0] =	vst v16;
	v16 =	vadd.f32 v20, v17;
	v17 =	vmul.f32 v26, v12  }
0x133: {  	v20 =	vld [tilespmem:s13+$0xD0]  }
0x134: {  	v23 =	vmul.f32 v23, v14;
	v26 =	vld [tilespmem:s11+$0xD0];
	[tilespmem:s8+$0xFFFFFF50] =	vst v16  }
0x135: {  	v16 =	vmul.f32 v24, v15;
	v24 =	vmul.f32 v25, v2;
	v25 =	vld [tilespmem:s25+$0xFFFFFF60]  }
0x136: {  	v21 =	vmul.f32 v21, v3;
	v18 =	vadd.f32 v23, v18;
	v23 =	vld [tilespmem:s7+$0xFFFFFF60]  }
0x137: {  	v22 =	vmul.f32 v22, v5;
	v27 =	vld [tilespmem:s14+$0x60]  }
0x138: {  	v16 =	vadd.f32 v21, v16;
	v18 =	vadd.f32 v24, v18;
	v20 =	vmul.f32 v20, v4;
	v21 =	vld [tilespmem:s14+$0xE0]  }
0x139: {  	v24 =	vmul.f32 v26, v6;
	v26 =	vld [tilespmem:s8+$0xFFFFFF70]  }
0x13a: {  	v16 =	vadd.f32 v22, v16;
	v22 =	vld [tilespmem:s14+$0xFFFFFFE0];
	[tilespmem:s14+$0x50] =	vst v18;
	v18 =	vadd.f32 v20, v19;
	v19 =	vmul.f32 v25, v11  }
0x13b: {  	v20 =	vld [tilespmem:s13+$0x60];
	v23 =	vmul.f32 v23, v10  }
0x13c: {  	[tilespmem:s14+$0xFFFFFFD0] =	vst v16;
	v16 =	vmul.f32 v27, v1;
	v25 =	vld [tilespmem:s11+$0x60];
	v18 =	vadd.f32 v24, v18;
	v17 =	vadd.f32 v19, v17  }
0x13d: {  	v19 =	vld [tilespmem:s13+$0xFFFFFFE0];
	v21 =	vmul.f32 v21, v13  }
0x13e: {  	v24 =	vld [tilespmem:s11+$0xFFFFFFE0];
	[tilespmem:s14+$0xD0] =	vst v18;
	v17 =	vadd.f32 v23, v17  }
0x13f: {  	v18 =	vmul.f32 v22, v15;
	v22 =	vld [tilespmem:s13+$0xE0]  }
0x140: {  	v20 =	vmul.f32 v20, v14;
	v23 =	vld [tilespmem:s11+$0xE0];
	[tilespmem:s8+$0xFFFFFF60] =	vst v17  }
0x141: {  	v17 =	vmul.f32 v25, v2;
	v25 =	vld [tilespmem:s25+$0xFFFFFF70];
	s25 =	smov.u32 s13  }
0x142: {  	v19 =	vmul.f32 v19, v3;
	v16 =	vadd.f32 v20, v16;
	v20 =	vld [tilespmem:s7+$0xFFFFFF70];
	s7 =	smov.u32 s11  }
0x143: {  	v24 =	vmul.f32 v24, v5;
	v27 =	vld [tilespmem:s14+$0xF0]  }
0x144: {  	v18 =	vadd.f32 v19, v18;
	v19 =	vld [tilespmem:s14+$0xFFFFFFF0];
	v16 =	vadd.f32 v17, v16;
	v17 =	vmul.f32 v22, v4  }
0x145: {  	v12 =	vmul.f32 v26, v12;
	v22 =	vld [tilespmem:s14+$0xFFFFFF10];
	v28 =	vmul.f32 v23, v6  }
0x146: {  	v23 =	vld [tilespmem:s11+$0xFFFFFF00];
	v18 =	vadd.f32 v24, v18;
	[tilespmem:s14+$0x60] =	vst v16;
	v17 =	vadd.f32 v17, v21;
	v11 =	vmul.f32 v25, v11  }
0x147: {  	v21 =	vmov s18;
	v25 =	vld [tilespmem:s13+$0x70]  }
.Ltmp5:
0x148: {  	v10 =	vmul.f32 v20, v10;
	[tilespmem:s14+$0xFFFFFFE0] =	vst v18;
	v16 =	vld [tilespmem:s11+$0x70];
	v17 =	vadd.f32 v28, v17;
	v11 =	vadd.f32 v11, v12;
	(pc) =	sbr.rel @p2 .LBB2_5-.Ltmp5, $4  }
0x149: {  	v12 =	vand.u32 $0xF, v21;
	v21 =	vmul.f32 v27, v13;
	v18 =	vmul.f32 v19, v15;
	v20 =	vld [tilespmem:s13+$0xFFFFFFF0]  }
0x14a: {  	v24 =	vbroadcast v12, $0x0;
	v19 =	vld [tilespmem:s11+$0xFFFFFFF0];
	[tilespmem:s14+$0xE0] =	vst v17;
	v11 =	vadd.f32 v10, v11  }
0x14b: {  	s16 =	smov.u32 s31;
	v15 =	vld [tilespmem:s13+$0xFFFFFF00]  }
0x14c: {  	v10 =	vperm.xlane v9, v24;
	s13 =	sadd.s32 $0x200, s13;
	v13 =	vld [tilespmem:s14+$0xFFFFFF00];
	v17 =	vmul.f32 v25, v14;
	[tilespmem:s8+$0xFFFFFF70] =	vst v11;
	s8 =	smov.u32 s14;
	s14 =	sadd.s32 $0x200, s14  }
0x14d: {  	_ =	sdelay $0x1  }
0x14e: {  	v7 =	vperm.xlane v7, v24;
	v8 =	vperm.xlane v8, v24;
	_ =	sdelay $0x1  }
0x14f: {  	v11 =	vmul.f32 v15, v8;
	v9 =	vmul.f32 v13, v7;
	_ =	sdelay $0x1  }
0x150: {  	v12 =	vmul.f32 v23, v10;
	v9 =	vadd.f32 v11, v9;
	_ =	sdelay $0x1  }
0x151: {  	v9 =	vadd.f32 v12, v9;
	_ =	sdelay $0x1  }
0x152: {  	[tilespmem:s8+$0xFFFFFF00] =	vst v9  }
0x153: {  	v9 =	vld [tilespmem:s25+$0xFFFFFF10];
	_ =	sdelay $0x1  }
0x154: {  	v43 =	vld [tilespmem:s7+$0xFFFFFF10];
	_ =	sdelay $0x2  }
0x155: {  	v44 =	vmul.f32 v22, v7;
	v9 =	vmul.f32 v9, v8;
	_ =	sdelay $0x1  }
0x156: {  	v11 =	vmul.f32 v43, v10;
	v9 =	vadd.f32 v9, v44;
	_ =	sdelay $0x1  }
0x157: {  	v9 =	vadd.f32 v11, v9;
	_ =	sdelay $0x1  }
0x158: {  	v45 =	vld [tilespmem:s8+$0xFFFFFF20];
	[tilespmem:s8+$0xFFFFFF10] =	vst v9  }
0x159: {  	v46 =	vld [tilespmem:s25+$0xFFFFFF20];
	_ =	sdelay $0x1  }
0x15a: {  	v47 =	vld [tilespmem:s7+$0xFFFFFF20];
	_ =	sdelay $0x2  }
0x15b: {  	v9 =	vmul.f32 v45, v7;
	v11 =	vmul.f32 v46, v8;
	_ =	sdelay $0x1  }
0x15c: {  	v48 =	vmul.f32 v47, v10;
	v9 =	vadd.f32 v11, v9;
	_ =	sdelay $0x1  }
0x15d: {  	v9 =	vadd.f32 v48, v9;
	_ =	sdelay $0x1  }
0x15e: {  	v49 =	vld [tilespmem:s8+$0xFFFFFF30];
	[tilespmem:s8+$0xFFFFFF20] =	vst v9  }
0x15f: {  	v9 =	vld [tilespmem:s25+$0xFFFFFF30];
	_ =	sdelay $0x1  }
0x160: {  	v50 =	vld [tilespmem:s7+$0xFFFFFF30];
	_ =	sdelay $0x2  }
0x161: {  	v11 =	vmul.f32 v49, v7;
	v9 =	vmul.f32 v9, v8;
	_ =	sdelay $0x1  }
0x162: {  	v51 =	vmul.f32 v50, v10;
	v9 =	vadd.f32 v9, v11;
	_ =	sdelay $0x1  }
0x163: {  	v9 =	vadd.f32 v51, v9;
	_ =	sdelay $0x1  }
0x164: {  	v52 =	vld [tilespmem:s8+$0xFFFFFF40];
	[tilespmem:s8+$0xFFFFFF30] =	vst v9  }
0x165: {  	v9 =	vld [tilespmem:s25+$0xFFFFFF40];
	_ =	sdelay $0x1  }
0x166: {  	v53 =	vld [tilespmem:s7+$0xFFFFFF40];
	_ =	sdelay $0x2  }
0x167: {  	v11 =	vmul.f32 v52, v7;
	v9 =	vmul.f32 v9, v8;
	_ =	sdelay $0x1  }
0x168: {  	v12 =	vmul.f32 v53, v10;
	v9 =	vadd.f32 v9, v11;
	_ =	sdelay $0x1  }
0x169: {  	v9 =	vadd.f32 v12, v9;
	_ =	sdelay $0x1  }
0x16a: {  	v54 =	vld [tilespmem:s8+$0xFFFFFF50];
	[tilespmem:s8+$0xFFFFFF40] =	vst v9  }
0x16b: {  	v9 =	vld [tilespmem:s25+$0xFFFFFF50];
	_ =	sdelay $0x1  }
0x16c: {  	v55 =	vld [tilespmem:s7+$0xFFFFFF50];
	_ =	sdelay $0x2  }
0x16d: {  	v11 =	vmul.f32 v54, v7;
	v9 =	vmul.f32 v9, v8;
	_ =	sdelay $0x1  }
0x16e: {  	v12 =	vmul.f32 v55, v10;
	v9 =	vadd.f32 v9, v11;
	_ =	sdelay $0x1  }
0x16f: {  	v9 =	vadd.f32 v12, v9;
	_ =	sdelay $0x1  }
0x170: {  	v56 =	vld [tilespmem:s8+$0xFFFFFF60];
	[tilespmem:s8+$0xFFFFFF50] =	vst v9  }
0x171: {  	v9 =	vld [tilespmem:s25+$0xFFFFFF60];
	_ =	sdelay $0x1  }
0x172: {  	v57 =	vld [tilespmem:s7+$0xFFFFFF60];
	_ =	sdelay $0x2  }
0x173: {  	v11 =	vmul.f32 v56, v7;
	v9 =	vmul.f32 v9, v8;
	_ =	sdelay $0x1  }
0x174: {  	v12 =	vmul.f32 v57, v10;
	v9 =	vadd.f32 v9, v11  }
0x175: {  	v58 =	vld [tilespmem:s25+$0xF0]  }
0x176: {  	v59 =	vld [tilespmem:s7+$0xF0];
	v9 =	vadd.f32 v12, v9  }
0x177: {  	v60 =	vld [tilespmem:s8+$0xFFFFFF70]  }
0x178: {  	v14 =	vld [tilespmem:s8+$0x70];
	[tilespmem:s8+$0xFFFFFF60] =	vst v9  }
0x179: {  	v9 =	vld [tilespmem:s25+$0xFFFFFF70];
	_ =	sdelay $0x1  }
0x17a: {  	v3 =	vmul.f32 v20, v3;
	v61 =	vld [tilespmem:s7+$0xFFFFFF70]  }
0x17b: {  	v5 =	vmul.f32 v19, v5;
	v4 =	vmul.f32 v58, v4  }
0x17c: {  	v3 =	vadd.f32 v3, v18;
	v6 =	vmul.f32 v59, v6;
	v1 =	vmul.f32 v14, v1  }
0x17d: {  	s9 =	sadd.s32 $0x1, s9;
	v4 =	vadd.f32 v4, v21;
	v7 =	vmul.f32 v60, v7;
	v8 =	vmul.f32 v9, v8  }
0x17e: {  	v2 =	vmul.f32 v16, v2;
	p2 =	sne.s32 s9, $0x8;
	v3 =	vadd.f32 v5, v3;
	v1 =	vadd.f32 v17, v1  }
.Ltmp6:
0x17f: {  	v4 =	vadd.f32 v6, v4;
	v63 =	vmul.f32 v61, v10;
	v62 =	vadd.f32 v8, v7;
	(pc) =	sbr.rel @p2 .LBB2_4-.Ltmp6, $4  }
0x180: {  	[tilespmem:s8+$0xFFFFFFF0] =	vst v3;
	v1 =	vadd.f32 v2, v1  }
0x181: {  	[tilespmem:s8+$0xF0] =	vst v4;
	v2 =	vadd.f32 v63, v62  }
0x182: {  	[tilespmem:s8+$0x70] =	vst v1  }
0x183: {  	s12 =	sadd.s32 $0x800, s12;
	s15 =	sadd.s32 $0x800, s15;
	s10 =	sadd.s32 $0x800, s10;
	[tilespmem:s8+$0xFFFFFF70] =	vst v2  }
0x184: {  	s0 =	sadd.s32 s5, s23  }
0x185: {  	s0 =	sshll.u32 s0, $0xB  }
0x186: {  	s0 =	sand.u32 $0x1FFFF800, s0  }
0x187: {  	s0 =	sadd.s32 s1, s0  }
0x188: {  	[hbm4b:s0+s2] =	stream.linear.scatter [tilespmem:s26], [sflag:$0x3], $0x4000, $0x38;
	[tilespmem:$0x1D200] =	vst v63  }
.LBB2_8:
0x189: {  	s0 =	sadd.s32 $0x2, s23  }
0x18a: {  	p2 =	sge.u32 s0, s6  }
0x18b: {  	s7 =	sshll.u32 @!p2 s0, $0x7;
	s9 =	simm.s32 @!p2 $0x80  }
0x18c: {  	s10 =	simm.s32 @!p2 $0x9000;
	s0 =	sadd.s32 @!p2 s5, s0;
	s8 =	sadd.s32 @!p2 $0x1400, s7  }
0x18d: {  	[tilespmem:s10], [sflag:$0x1] =	stream.indirect.gather @!p2 [hbm4b:s3+s9], $0x80, s8, s9, $0xb8;
	[tilespmem:$0x1D200] =	vst v63  }
0x18e: {  	s0 =	sshll.u32 @!p2 s0, $0xB;
	s10 =	simm.s32 @!p2 $0x11000  }
0x18f: {  	[tilespmem:s10], [sflag:$0x1] =	stream.indirect.gather @!p2 [hbm4b:s4+s9], $0x1, s7, s9, $0xb8;
	[tilespmem:$0x1D200] =	vst v63  }
0x190: {  	s0 =	sand.u32 @!p2 $0x1FFFF800, s0;
	s10 =	simm.s32 @!p2 $0x11080  }
0x191: {  	[tilespmem:s10], [sflag:$0x1] =	stream.indirect.gather @!p2 [hbm4b:s4+s9], $0x1, s8, s9, $0xb8;
	[tilespmem:$0x1D200] =	vst v63  }
0x192: {  	s0 =	sadd.s32 @!p2 s3, s0;
	s8 =	simm.s32 @!p2 $0x0;
	s10 =	simm.s32 @!p2 $0xD000  }
0x193: {  	[tilespmem:s10], [sflag:$0x1] =	stream.linear.gather @!p2 [hbm4b:s0+s8], $0x4000, $0x38;
	[tilespmem:$0x1D200] =	vst v63  }
.Ltmp7:
0x194: {  	s0 =	simm.s32 @!p2 $0x3;
	(pc) =	sbr.rel @p1 .LBB2_14-.Ltmp7, $4  }
0x195: {  	_ =	swait.ge @!p2 [sflag:s0], $0x4000  }
0x196: {  	[sflag:s0] =	ssyncset.done @!p2 $0x0  }
0x197: {  	[sflag:s0] =	ssyncadd.s32 @!p2 $0xFFFFC000;
	s0 =	simm.s32 @!p2 $0x5000  }
0x198: {  	[tilespmem:s0], [sflag:$0x1] =	stream.indirect.gather @!p2 [hbm4b:s3+s9], $0x80, s7, s9, $0xb8;
	[tilespmem:$0x1D200] =	vst v63  }
0x199: {  	_ =	swait.ge [sflag:s29], $0x4000  }
0x19a: {  	[sflag:s29] =	ssyncset.done $0x0  }
0x19b: {  	[sflag:s29] =	ssyncadd.s32 $0xFFFFC000  }
0x19c: {  	_ =	swait.ge [sflag:s29], $0x4000  }
0x19d: {  	[sflag:s29] =	ssyncset.done $0x0  }
0x19e: {  	[sflag:s29] =	ssyncadd.s32 $0xFFFFC000  }
0x19f: {  	_ =	swait.ge [sflag:s29], $0x80  }
0x1a0: {  	[sflag:s29] =	ssyncset.done $0x0  }
0x1a1: {  	[sflag:s29] =	ssyncadd.s32 $0xFFFFFF80  }
0x1a2: {  	_ =	swait.ge [sflag:s29], $0x80  }
0x1a3: {  	[sflag:s29] =	ssyncset.done $0x0  }
0x1a4: {  	[sflag:s29] =	ssyncadd.s32 $0xFFFFFF80  }
0x1a5: {  	s0 =	sshll.u32 s22, $0x7;
	s23 =	simm.s32 $0x0;
	_ =	swait.ge [sflag:s29], $0x4000  }
0x1a6: {  	s24 =	simm.s32 $0x15200;
	s7 =	simm.s32 $0x19200;
	[sflag:s29] =	ssyncset.done $0x0  }
0x1a7: {  	s8 =	simm.s32 $0x11200;
	s9 =	simm.s32 $0x0;
	v0 =	vmov s0;
	[sflag:s29] =	ssyncadd.s32 $0xFFFFC000  }
.LBB2_10:
0x1a8: {  	_ =	sdelay $0x1  }
0x1a9: {  	s0 =	sshll.u32 s9, $0x4  }
0x1aa: {  	v1 =	vld [tilespmem:s0+$0x1D180]  }
0x1ab: {  	v2 =	vld.idx.msk [tilespmem:v0+s0+$0x2800 ss:$0x1], $0xffff  }
0x1ac: {  	v3 =	vld.idx.msk [tilespmem:v0+s0+$0x3C00 ss:$0x1], $0xffff  }
0x1ad: {  	v4 =	vld [tilespmem:s0+$0x1D100];
	_ =	sdelay $0x3  }
0x1ae: {  	v1 =	vadd.f32 v3, v1;
	v2 =	vadd.f32 v3, v2  }
0x1af: {  	v3 =	vadd.f32 v3, v4  }
0x1b0: {  	v4 =	vmul.f32 $2.000000030e-01, v1;
	v5 =	vmul.f32 $2.000000030e-01, v2  }
0x1b1: {  	v6 =	vmul.f32 $2.000000030e-01, v3;
	vm0 =	vgt.f32 v1, $0.0e+00;
	vm1 =	vgt.f32 v2, $0.0e+00  }
0x1b2: {  	vm15 =	vgt.f32 v3, $0.0e+00;
	v1 =	vsel vm0, v1, v4;
	v2 =	vsel vm1, v2, v5  }
0x1b3: {  	v3 =	vsel vm15, v3, v6;
	v4 =	vmax.f32 v1, v2  }
0x1b4: {  	v4 =	vmax.f32 v3, v4  }
0x1b5: {  	v3 =	vsub.f32 v3, v4  }
0x1b6: {  	v1 =	vsub.f32 v1, v4  }
0x1b7: {  	v3 =	vmul.f32 $1.442695020e+00, v3  }
0x1b8: {  	v2 =	vsub.f32 v2, v4;
	v1 =	vmul.f32 $1.442695020e+00, v1  }
0x1b9: {  	(erf) = vpow2.f32 v3  }
0x1ba: {  	(erf) = vpow2.f32 v1;
	v1 =	vmul.f32 $1.442695020e+00, v2;
	_ =	sdelay $0x1  }
0x1bb: {  	(erf) = vpow2.f32 v1;
	_ =	sdelay $0x5  }
0x1bc: {  	v1 =	vpop (erf)  }
0x1bd: {  	v2 =	vpop (erf)  }
0x1be: {  	v3 =	vadd.f32 v2, v1  }
0x1bf: {  	v4 =	vpop (erf)  }
0x1c0: {  	v3 =	vadd.f32 v3, v4;
	_ =	sdelay $0x1  }
0x1c1: {  	v3 =	vadd.f32 $1.000000020e-16, v3;
	_ =	sdelay $0x1  }
0x1c2: {  	(erf) = vrcp.f32 v3;
	_ =	sdelay $0x8  }
0x1c3: {  	s25 =	simm.s32 $0x1;
	v3 =	vpop (erf)  }
0x1c4: {  	s31 =	simm.s32 $0x2;
	v13 =	vld [tilespmem:s24+$0x0];
	v7 =	vmul.f32 v3, v1;
	v1 =	vmov s25  }
0x1c5: {  	s10 =	simm.s32 $0x3;
	v15 =	vld [tilespmem:s24+$0xFFFFFF80];
	v8 =	vmul.f32 v3, v2;
	v2 =	vmov s31;
	v1 =	vand.u32 $0xF, v1  }
0x1c6: {  	v10 =	vmov s10;
	v5 =	vld [tilespmem:s8+$0x0];
	v12 =	vbroadcast v1, $0x0;
	v1 =	vand.u32 $0xF, v2  }
0x1c7: {  	v6 =	vld [tilespmem:s8+$0xFFFFFF80];
	v9 =	vmul.f32 v3, v4;
	v2 =	vand.u32 $0xF, v10;
	v4 =	vbroadcast v1, $0x0  }
0x1c8: {  	v14 =	vld [tilespmem:s7+$0x0];
	v16 =	vbroadcast v2, $0x0;
	v3 =	vperm.xlane v8, v12  }
0x1c9: {  	v1 =	vperm.xlane v7, v4;
	v11 =	vperm.xlane v8, v4  }
0x1ca: {  	v17 =	vld [tilespmem:s7+$0xFFFFFF80];
	v10 =	vperm.xlane v7, v12;
	v2 =	vperm.xlane v9, v4  }
0x1cb: {  	v19 =	vld [tilespmem:s8+$0x80];
	v4 =	vmul.f32 v5, v1;
	v13 =	vmul.f32 v13, v11  }
0x1cc: {  	v18 =	vld [tilespmem:s24+$0x80];
	v6 =	vmul.f32 v6, v10;
	v15 =	vmul.f32 v15, v3  }
0x1cd: {  	v14 =	vmul.f32 v14, v2;
	v5 =	vperm.xlane v9, v12;
	v13 =	vadd.f32 v13, v4  }
0x1ce: {  	v20 =	vld [tilespmem:s7+$0x80];
	v12 =	vperm.xlane v7, v16;
	v15 =	vadd.f32 v15, v6  }
0x1cf: {  	v4 =	vperm.xlane v8, v16;
	v17 =	vmul.f32 v17, v5;
	v13 =	vadd.f32 v14, v13  }
0x1d0: {  	v6 =	vperm.xlane v9, v16;
	v16 =	vmul.f32 v19, v12;
	v19 =	vld [tilespmem:s8+$0xFFFFFF90]  }
0x1d1: {  	v14 =	vld [tilespmem:s8+$0x10];
	v18 =	vmul.f32 v18, v4;
	v15 =	vadd.f32 v17, v15;
	[tilespmem:s8+$0x0] =	vst v13  }
0x1d2: {  	v13 =	vld [tilespmem:s24+$0x10]  }
0x1d3: {  	v17 =	vmul.f32 v20, v6;
	v16 =	vadd.f32 v18, v16;
	[tilespmem:s8+$0xFFFFFF80] =	vst v15;
	v15 =	vld [tilespmem:s7+$0x10]  }
0x1d4: {  	v18 =	vld [tilespmem:s24+$0xFFFFFF90]  }
0x1d5: {  	v16 =	vadd.f32 v17, v16  }
0x1d6: {  	v20 =	vld [tilespmem:s7+$0xFFFFFF90]  }
0x1d7: {  	v17 =	vld [tilespmem:s8+$0x90];
	v14 =	vmul.f32 v14, v1;
	[tilespmem:s8+$0x80] =	vst v16;
	v13 =	vmul.f32 v13, v11  }
0x1d8: {  	v16 =	vmul.f32 v19, v10;
	v19 =	vld [tilespmem:s24+$0x90]  }
0x1d9: {  	v15 =	vmul.f32 v15, v2;
	v18 =	vmul.f32 v18, v3;
	v13 =	vadd.f32 v13, v14  }
0x1da: {  	v14 =	vld [tilespmem:s7+$0x90]  }
0x1db: {  	v20 =	vmul.f32 v20, v5;
	v16 =	vadd.f32 v18, v16;
	v13 =	vadd.f32 v15, v13  }
0x1dc: {  	v15 =	vld [tilespmem:s8+$0x20]  }
0x1dd: {  	v17 =	vmul.f32 v17, v12;
	v18 =	vmul.f32 v19, v4;
	v16 =	vadd.f32 v20, v16;
	v19 =	vld [tilespmem:s8+$0xFFFFFFA0];
	[tilespmem:s8+$0x10] =	vst v13  }
0x1de: {  	v13 =	vld [tilespmem:s24+$0x20]  }
0x1df: {  	v17 =	vadd.f32 v18, v17;
	[tilespmem:s8+$0xFFFFFF90] =	vst v16;
	v14 =	vmul.f32 v14, v6;
	v16 =	vld [tilespmem:s7+$0x20]  }
0x1e0: {  	v18 =	vld [tilespmem:s24+$0xFFFFFFA0]  }
0x1e1: {  	v14 =	vadd.f32 v14, v17  }
0x1e2: {  	v17 =	vld [tilespmem:s7+$0xFFFFFFA0]  }
0x1e3: {  	v20 =	vld [tilespmem:s8+$0xA0];
	v15 =	vmul.f32 v15, v1;
	[tilespmem:s8+$0x90] =	vst v14;
	v13 =	vmul.f32 v13, v11  }
0x1e4: {  	v19 =	vmul.f32 v19, v10;
	v14 =	vld [tilespmem:s24+$0xA0]  }
0x1e5: {  	v16 =	vmul.f32 v16, v2;
	v18 =	vmul.f32 v18, v3;
	v13 =	vadd.f32 v13, v15  }
0x1e6: {  	v15 =	vld [tilespmem:s7+$0xA0]  }
0x1e7: {  	v18 =	vadd.f32 v18, v19;
	v17 =	vmul.f32 v17, v5;
	v13 =	vadd.f32 v16, v13  }
0x1e8: {  	v16 =	vld [tilespmem:s8+$0x30]  }
0x1e9: {  	v19 =	vmul.f32 v20, v12;
	v17 =	vadd.f32 v17, v18;
	v18 =	vld [tilespmem:s8+$0xFFFFFFB0];
	v14 =	vmul.f32 v14, v4;
	[tilespmem:s8+$0x20] =	vst v13  }
0x1ea: {  	v13 =	vld [tilespmem:s24+$0x30]  }
0x1eb: {  	[tilespmem:s8+$0xFFFFFFA0] =	vst v17;
	v14 =	vadd.f32 v14, v19;
	v15 =	vmul.f32 v15, v6;
	v17 =	vld [tilespmem:s7+$0x30]  }
0x1ec: {  	v19 =	vld [tilespmem:s24+$0xFFFFFFB0]  }
0x1ed: {  	v14 =	vadd.f32 v15, v14  }
0x1ee: {  	v15 =	vld [tilespmem:s7+$0xFFFFFFB0]  }
0x1ef: {  	v20 =	vld [tilespmem:s8+$0xB0];
	v16 =	vmul.f32 v16, v1;
	[tilespmem:s8+$0xA0] =	vst v14;
	v13 =	vmul.f32 v13, v11  }
0x1f0: {  	v18 =	vmul.f32 v18, v10;
	v14 =	vld [tilespmem:s24+$0xB0]  }
0x1f1: {  	v17 =	vmul.f32 v17, v2;
	v19 =	vmul.f32 v19, v3;
	v13 =	vadd.f32 v13, v16  }
0x1f2: {  	v16 =	vld [tilespmem:s7+$0xB0]  }
0x1f3: {  	v15 =	vmul.f32 v15, v5;
	v18 =	vadd.f32 v19, v18;
	v13 =	vadd.f32 v17, v13  }
0x1f4: {  	v17 =	vld [tilespmem:s8+$0x40]  }
0x1f5: {  	v19 =	vmul.f32 v20, v12;
	v15 =	vadd.f32 v15, v18;
	v18 =	vld [tilespmem:s8+$0xFFFFFFC0];
	v14 =	vmul.f32 v14, v4;
	[tilespmem:s8+$0x30] =	vst v13  }
0x1f6: {  	v13 =	vld [tilespmem:s24+$0x40]  }
0x1f7: {  	[tilespmem:s8+$0xFFFFFFB0] =	vst v15;
	v16 =	vmul.f32 v16, v6;
	v14 =	vadd.f32 v14, v19;
	v15 =	vld [tilespmem:s7+$0x40]  }
0x1f8: {  	v19 =	vld [tilespmem:s24+$0xFFFFFFC0]  }
0x1f9: {  	v14 =	vadd.f32 v16, v14  }
0x1fa: {  	v16 =	vld [tilespmem:s7+$0xFFFFFFC0]  }
0x1fb: {  	v20 =	vld [tilespmem:s8+$0xC0];
	v17 =	vmul.f32 v17, v1;
	[tilespmem:s8+$0xB0] =	vst v14;
	v13 =	vmul.f32 v13, v11  }
0x1fc: {  	v14 =	vmul.f32 v18, v10;
	v18 =	vld [tilespmem:s24+$0xC0]  }
0x1fd: {  	v15 =	vmul.f32 v15, v2;
	v19 =	vmul.f32 v19, v3;
	v13 =	vadd.f32 v13, v17  }
0x1fe: {  	v17 =	vld [tilespmem:s7+$0xC0]  }
0x1ff: {  	v16 =	vmul.f32 v16, v5;
	v14 =	vadd.f32 v19, v14;
	v13 =	vadd.f32 v15, v13  }
0x200: {  	v15 =	vld [tilespmem:s8+$0x50]  }
0x201: {  	v19 =	vmul.f32 v20, v12;
	v14 =	vadd.f32 v16, v14;
	v16 =	vld [tilespmem:s8+$0xFFFFFFD0];
	v18 =	vmul.f32 v18, v4;
	[tilespmem:s8+$0x40] =	vst v13  }
0x202: {  	v13 =	vld [tilespmem:s24+$0x50]  }
0x203: {  	[tilespmem:s8+$0xFFFFFFC0] =	vst v14;
	v17 =	vmul.f32 v17, v6;
	v18 =	vadd.f32 v18, v19;
	v14 =	vld [tilespmem:s7+$0x50]  }
0x204: {  	v19 =	vld [tilespmem:s24+$0xFFFFFFD0]  }
0x205: {  	v17 =	vadd.f32 v17, v18  }
0x206: {  	v18 =	vld [tilespmem:s7+$0xFFFFFFD0]  }
0x207: {  	v20 =	vld [tilespmem:s8+$0xD0];
	v15 =	vmul.f32 v15, v1;
	[tilespmem:s8+$0xC0] =	vst v17;
	v13 =	vmul.f32 v13, v11  }
0x208: {  	v16 =	vmul.f32 v16, v10;
	v17 =	vld [tilespmem:s24+$0xD0]  }
0x209: {  	v14 =	vmul.f32 v14, v2;
	v19 =	vmul.f32 v19, v3;
	v13 =	vadd.f32 v13, v15  }
0x20a: {  	v15 =	vld [tilespmem:s7+$0xD0]  }
0x20b: {  	v18 =	vmul.f32 v18, v5;
	v16 =	vadd.f32 v19, v16;
	v13 =	vadd.f32 v14, v13  }
0x20c: {  	v14 =	vld [tilespmem:s8+$0x60]  }
0x20d: {  	v19 =	vmul.f32 v20, v12;
	v16 =	vadd.f32 v18, v16;
	v18 =	vld [tilespmem:s8+$0xFFFFFFE0];
	v17 =	vmul.f32 v17, v4;
	[tilespmem:s8+$0x50] =	vst v13  }
0x20e: {  	v13 =	vld [tilespmem:s24+$0x60]  }
0x20f: {  	[tilespmem:s8+$0xFFFFFFD0] =	vst v16;
	v15 =	vmul.f32 v15, v6;
	v17 =	vadd.f32 v17, v19;
	v16 =	vld [tilespmem:s7+$0x60]  }
0x210: {  	v19 =	vld [tilespmem:s24+$0xFFFFFFE0]  }
0x211: {  	v15 =	vadd.f32 v15, v17  }
0x212: {  	v17 =	vld [tilespmem:s7+$0xFFFFFFE0]  }
0x213: {  	v20 =	vld [tilespmem:s8+$0xE0];
	v14 =	vmul.f32 v14, v1;
	[tilespmem:s8+$0xD0] =	vst v15;
	v13 =	vmul.f32 v13, v11  }
0x214: {  	v15 =	vmul.f32 v18, v10;
	v18 =	vld [tilespmem:s24+$0xE0]  }
0x215: {  	v25 =	vld [tilespmem:s8+$0xFFFFFFF0];
	v16 =	vmul.f32 v16, v2;
	v19 =	vmul.f32 v19, v3;
	v13 =	vadd.f32 v13, v14  }
0x216: {  	v21 =	vld [tilespmem:s7+$0xE0]  }
0x217: {  	v22 =	vld [tilespmem:s8+$0xFFFFFF10];
	v17 =	vmul.f32 v17, v5;
	v15 =	vadd.f32 v19, v15;
	v13 =	vadd.f32 v16, v13  }
0x218: {  	v23 =	vld [tilespmem:s7+$0xFFFFFF00]  }
0x219: {  	v14 =	vld [tilespmem:s8+$0xF0];
	v16 =	vmul.f32 v20, v12;
	v15 =	vadd.f32 v17, v15;
	v18 =	vmul.f32 v18, v4;
	[tilespmem:s8+$0x60] =	vst v13  }
0x21a: {  	v17 =	vld [tilespmem:s24+$0x70]  }
0x21b: {  	v19 =	vmov s23;
	v13 =	vmul.f32 v21, v6;
	[tilespmem:s8+$0xFFFFFFE0] =	vst v15;
	v18 =	vadd.f32 v18, v16;
	v16 =	vld [tilespmem:s7+$0x70]  }
0x21c: {  	v15 =	vand.u32 $0xF, v19;
	v20 =	vld [tilespmem:s24+$0xFFFFFFF0]  }
0x21d: {  	s13 =	sadd.s32 $0x200, s24;
	v24 =	vbroadcast v15, $0x0;
	v19 =	vld [tilespmem:s7+$0xFFFFFFF0];
	v13 =	vadd.f32 v13, v18  }
0x21e: {  	s14 =	sadd.s32 $0x200, s8;
	s15 =	smov.u32 s7;
	s12 =	smov.u32 s24;
	v21 =	vmul.f32 v14, v12;
	v15 =	vld [tilespmem:s24+$0xFFFFFF00];
	v18 =	vmul.f32 v25, v10  }
0x21f: {  	s11 =	smov.u32 s7;
	s10 =	smov.u32 s8;
	s25 =	simm.s32 $0x4;
	v10 =	vperm.xlane v9, v24;
	[tilespmem:s8+$0xE0] =	vst v13;
	v13 =	vld [tilespmem:s8+$0xFFFFFF00];
	v17 =	vmul.f32 v17, v11  }
.LBB2_11:
0x220: {  	s0 =	sadd.s32 $0x1, s25  }
0x221: {  	v25 =	vld [tilespmem:s14+$0x0];
	s21 =	sadd.s32 $0x3, s25;
	v12 =	vperm.xlane v7, v24;
	v11 =	vperm.xlane v8, v24;
	s18 =	smov.u32 s25;
	s16 =	sadd.s32 $0x4, s25  }
0x222: {  	p1 =	slt.u32 s25, $0xC;
	v14 =	vmov s0;
	v24 =	vld [tilespmem:s13+$0xFFFFFF80];
	s0 =	sadd.s32 $0x2, s18;
	v26 =	vmov s21;
	v23 =	vmul.f32 v23, v10  }
0x223: {  	v14 =	vand.u32 $0xF, v14;
	v27 =	vld [tilespmem:s14+$0xFFFFFF80];
	v28 =	vmov s0;
	v26 =	vand.u32 $0xF, v26  }
0x224: {  	s15 =	sadd.s32 $0x200, s15;
	v29 =	vbroadcast v14, $0x0;
	v14 =	vand.u32 $0xF, v28;
	v26 =	vbroadcast v26, $0x0;
	v28 =	vld [tilespmem:s13+$0x80]  }
0x225: {  	v30 =	vbroadcast v14, $0x0;
	v31 =	vld [tilespmem:s14+$0x80];
	v14 =	vmul.f32 v13, v12  }
0x226: {  	v15 =	vmul.f32 v15, v11;
	v32 =	vld [tilespmem:s13+$0x0];
	v13 =	vperm.xlane v7, v26  }
0x227: {  	v33 =	vperm.xlane v8, v26;
	v26 =	vperm.xlane v9, v26;
	v34 =	vld [tilespmem:s15+$0x80]  }
0x228: {  	v35 =	vperm.xlane v8, v29;
	v36 =	vperm.xlane v7, v30;
	v38 =	vadd.f32 v15, v14;
	v37 =	vld [tilespmem:s15+$0x0]  }
0x229: {  	v14 =	vperm.xlane v8, v30;
	v30 =	vperm.xlane v9, v30;
	v39 =	vld [tilespmem:s12+$0xF0]  }
0x22a: {  	v15 =	vperm.xlane v7, v29;
	v23 =	vadd.f32 v23, v38;
	v31 =	vmul.f32 v31, v13;
	v38 =	vld [tilespmem:s11+$0xF0]  }
0x22b: {  	v25 =	vmul.f32 v25, v36;
	v28 =	vmul.f32 v28, v33;
	v40 =	vld [tilespmem:s15+$0xFFFFFF80]  }
0x22c: {  	v32 =	vmul.f32 v32, v14;
	v41 =	vld [tilespmem:s14+$0xFFFFFF90];
	v34 =	vmul.f32 v34, v26;
	[tilespmem:s10+$0xFFFFFF00] =	vst v23  }
0x22d: {  	v23 =	vmul.f32 v27, v15;
	v28 =	vadd.f32 v28, v31;
	v27 =	vmul.f32 v37, v30;
	v31 =	vld [tilespmem:s12+$0xFFFFFF10]  }
0x22e: {  	v29 =	vperm.xlane v9, v29;
	v24 =	vmul.f32 v24, v35;
	v25 =	vadd.f32 v32, v25;
	v32 =	vld [tilespmem:s11+$0xFFFFFF10]  }
0x22f: {  	v28 =	vadd.f32 v34, v28;
	v34 =	vmul.f32 v39, v4;
	v4 =	vmovc v33;
	v37 =	vld [tilespmem:s14+$0x10];
	v38 =	vmul.f32 v38, v6  }
0x230: {  	v23 =	vadd.f32 v24, v23;
	v25 =	vadd.f32 v27, v25;
	v6 =	vmovc v26;
	v24 =	vmul.f32 v40, v29;
	v27 =	vld [tilespmem:s14+$0x90]  }
0x231: {  	v33 =	vmul.f32 v20, v3;
	v21 =	vadd.f32 v34, v21;
	v26 =	vmul.f32 v41, v15;
	[tilespmem:s14+$0x80] =	vst v28;
	v20 =	vld [tilespmem:s10+$0x70]  }
0x232: {  	v22 =	vmul.f32 v22, v12;
	v23 =	vadd.f32 v24, v23;
	[tilespmem:s14+$0x0] =	vst v25;
	v24 =	vld [tilespmem:s13+$0x90];
	v25 =	vmul.f32 v31, v11  }
0x233: {  	v3 =	vmovc v35;
	v18 =	vadd.f32 v33, v18;
	v33 =	vmul.f32 v19, v5;
	v19 =	vadd.f32 v38, v21;
	v28 =	vld [tilespmem:s13+$0x10]  }
0x234: {  	[tilespmem:s14+$0xFFFFFF80] =	vst v23;
	v21 =	vmul.f32 v37, v36;
	v23 =	vld [tilespmem:s15+$0x10];
	v22 =	vadd.f32 v25, v22;
	v25 =	vmul.f32 v32, v10  }
0x235: {  	v5 =	vmov v29;
	v18 =	vadd.f32 v33, v18;
	v31 =	vld [tilespmem:s13+$0xFFFFFF90];
	v27 =	vmul.f32 v27, v13;
	[tilespmem:s10+$0xF0] =	vst v19  }
0x236: {  	v19 =	vld [tilespmem:s15+$0xFFFFFF90];
	v22 =	vadd.f32 v25, v22;
	v20 =	vmul.f32 v20, v1;
	v1 =	vmov v36  }
0x237: {  	v24 =	vmul.f32 v24, v4;
	v25 =	vld [tilespmem:s15+$0x90];
	[tilespmem:s10+$0xFFFFFFF0] =	vst v18  }
0x238: {  	v16 =	vmul.f32 v16, v2;
	v18 =	vmul.f32 v28, v14;
	[tilespmem:s10+$0xFFFFFF10] =	vst v22;
	v22 =	vld [tilespmem:s10+$0xFFFFFF20];
	v17 =	vadd.f32 v17, v20  }
0x239: {  	v2 =	vmov v30;
	v20 =	vmul.f32 v23, v30;
	v23 =	vadd.f32 v24, v27;
	v24 =	vld [tilespmem:s12+$0xFFFFFF20]  }
0x23a: {  	v27 =	vmul.f32 v31, v3;
	v18 =	vadd.f32 v18, v21;
	v21 =	vld [tilespmem:s11+$0xFFFFFF20];
	v16 =	vadd.f32 v16, v17  }
0x23b: {  	v17 =	vmul.f32 v19, v5;
	v19 =	vld [tilespmem:s14+$0x20]  }
0x23c: {  	v26 =	vadd.f32 v27, v26;
	v18 =	vadd.f32 v20, v18;
	v20 =	vmul.f32 v25, v6;
	v25 =	vld [tilespmem:s14+$0xA0];
	[tilespmem:s10+$0x70] =	vst v16  }
0x23d: {  	v16 =	vmul.f32 v22, v12;
	v22 =	vld [tilespmem:s10+$0xFFFFFF30]  }
0x23e: {  	v17 =	vadd.f32 v17, v26;
	v26 =	vld [tilespmem:s14+$0xFFFFFFA0];
	[tilespmem:s14+$0x10] =	vst v18;
	v18 =	vadd.f32 v20, v23;
	v20 =	vmul.f32 v24, v11  }
0x23f: {  	v23 =	vld [tilespmem:s13+$0x20]  }
0x240: {  	[tilespmem:s14+$0xFFFFFF90] =	vst v17;
	v17 =	vmul.f32 v19, v1;
	v19 =	vld [tilespmem:s15+$0x20];
	v16 =	vadd.f32 v20, v16;
	v20 =	vmul.f32 v21, v10  }
0x241: {  	v21 =	vld [tilespmem:s13+$0xFFFFFFA0];
	[tilespmem:s14+$0x90] =	vst v18;
	v18 =	vmul.f32 v25, v13  }
0x242: {  	v24 =	vld [tilespmem:s13+$0xA0];
	v16 =	vadd.f32 v20, v16  }
0x243: {  	v20 =	vld [tilespmem:s15+$0xFFFFFFA0]  }
0x244: {  	v23 =	vmul.f32 v23, v14;
	v25 =	vld [tilespmem:s15+$0xA0];
	[tilespmem:s10+$0xFFFFFF20] =	vst v16  }
0x245: {  	v16 =	vmul.f32 v26, v15;
	v19 =	vmul.f32 v19, v2;
	v26 =	vld [tilespmem:s12+$0xFFFFFF30]  }
0x246: {  	v21 =	vmul.f32 v21, v3;
	v17 =	vadd.f32 v23, v17;
	v23 =	vld [tilespmem:s11+$0xFFFFFF30]  }
0x247: {  	v27 =	vld [tilespmem:s14+$0x30];
	v24 =	vmul.f32 v24, v4  }
0x248: {  	v16 =	vadd.f32 v21, v16;
	v20 =	vmul.f32 v20, v5;
	v17 =	vadd.f32 v19, v17;
	v19 =	vld [tilespmem:s14+$0xB0]  }
0x249: {  	v18 =	vadd.f32 v24, v18;
	v21 =	vmul.f32 v25, v6;
	v24 =	vld [tilespmem:s10+$0xFFFFFF40]  }
0x24a: {  	v16 =	vadd.f32 v20, v16;
	v20 =	vld [tilespmem:s14+$0xFFFFFFB0];
	[tilespmem:s14+$0x20] =	vst v17;
	v17 =	vmul.f32 v22, v12;
	v22 =	vmul.f32 v26, v11  }
0x24b: {  	v25 =	vld [tilespmem:s13+$0x30];
	v18 =	vadd.f32 v21, v18  }
0x24c: {  	[tilespmem:s14+$0xFFFFFFA0] =	vst v16;
	v16 =	vmul.f32 v27, v1;
	v21 =	vld [tilespmem:s15+$0x30];
	v17 =	vadd.f32 v22, v17;
	v22 =	vmul.f32 v23, v10  }
0x24d: {  	v23 =	vld [tilespmem:s13+$0xFFFFFFB0];
	[tilespmem:s14+$0xA0] =	vst v18;
	v18 =	vmul.f32 v19, v13  }
0x24e: {  	v19 =	vld [tilespmem:s15+$0xFFFFFFB0];
	v17 =	vadd.f32 v22, v17;
	v22 =	vmul.f32 v24, v12  }
0x24f: {  	v24 =	vld [tilespmem:s13+$0xB0]  }
0x250: {  	v25 =	vmul.f32 v25, v14;
	v26 =	vld [tilespmem:s15+$0xB0];
	[tilespmem:s10+$0xFFFFFF30] =	vst v17  }
0x251: {  	v17 =	vmul.f32 v20, v15;
	v20 =	vmul.f32 v21, v2;
	v21 =	vld [tilespmem:s12+$0xFFFFFF40]  }
0x252: {  	v23 =	vmul.f32 v23, v3;
	v16 =	vadd.f32 v25, v16;
	v25 =	vld [tilespmem:s11+$0xFFFFFF40]  }
0x253: {  	v19 =	vmul.f32 v19, v5;
	v27 =	vld [tilespmem:s14+$0x40]  }
0x254: {  	v17 =	vadd.f32 v23, v17;
	v16 =	vadd.f32 v20, v16;
	v20 =	vmul.f32 v24, v4;
	v23 =	vld [tilespmem:s14+$0xC0]  }
0x255: {  	v24 =	vmul.f32 v26, v6;
	v26 =	vld [tilespmem:s10+$0xFFFFFF50]  }
0x256: {  	v17 =	vadd.f32 v19, v17;
	v19 =	vld [tilespmem:s14+$0xFFFFFFC0];
	[tilespmem:s14+$0x30] =	vst v16;
	v16 =	vadd.f32 v20, v18;
	v18 =	vmul.f32 v21, v11  }
0x257: {  	v20 =	vld [tilespmem:s13+$0x40];
	v21 =	vmul.f32 v25, v10  }
0x258: {  	[tilespmem:s14+$0xFFFFFFB0] =	vst v17;
	v17 =	vmul.f32 v27, v1;
	v25 =	vld [tilespmem:s15+$0x40];
	v16 =	vadd.f32 v24, v16;
	v18 =	vadd.f32 v18, v22  }
0x259: {  	v22 =	vld [tilespmem:s13+$0xFFFFFFC0];
	v23 =	vmul.f32 v23, v13  }
0x25a: {  	v24 =	vld [tilespmem:s15+$0xFFFFFFC0];
	[tilespmem:s14+$0xB0] =	vst v16;
	v16 =	vadd.f32 v21, v18  }
0x25b: {  	v18 =	vmul.f32 v19, v15;
	v19 =	vld [tilespmem:s13+$0xC0]  }
0x25c: {  	v20 =	vmul.f32 v20, v14;
	v21 =	vld [tilespmem:s15+$0xC0];
	[tilespmem:s10+$0xFFFFFF40] =	vst v16  }
0x25d: {  	v16 =	vmul.f32 v25, v2;
	v25 =	vld [tilespmem:s12+$0xFFFFFF50]  }
0x25e: {  	v22 =	vmul.f32 v22, v3;
	v17 =	vadd.f32 v20, v17;
	v20 =	vld [tilespmem:s11+$0xFFFFFF50]  }
0x25f: {  	v24 =	vmul.f32 v24, v5;
	v27 =	vld [tilespmem:s14+$0x50]  }
0x260: {  	v18 =	vadd.f32 v22, v18;
	v16 =	vadd.f32 v16, v17;
	v17 =	vmul.f32 v19, v4;
	v19 =	vld [tilespmem:s14+$0xD0]  }
0x261: {  	v22 =	vmul.f32 v26, v12;
	v21 =	vmul.f32 v21, v6;
	v26 =	vld [tilespmem:s10+$0xFFFFFF60]  }
0x262: {  	v18 =	vadd.f32 v24, v18;
	v24 =	vld [tilespmem:s14+$0xFFFFFFD0];
	[tilespmem:s14+$0x40] =	vst v16;
	v16 =	vadd.f32 v17, v23;
	v17 =	vmul.f32 v25, v11  }
0x263: {  	v23 =	vld [tilespmem:s13+$0x50];
	v20 =	vmul.f32 v20, v10  }
0x264: {  	[tilespmem:s14+$0xFFFFFFC0] =	vst v18;
	v18 =	vmul.f32 v27, v1;
	v25 =	vld [tilespmem:s15+$0x50];
	v16 =	vadd.f32 v21, v16;
	v17 =	vadd.f32 v17, v22  }
0x265: {  	v21 =	vld [tilespmem:s13+$0xFFFFFFD0];
	v19 =	vmul.f32 v19, v13  }
0x266: {  	v22 =	vld [tilespmem:s15+$0xFFFFFFD0];
	[tilespmem:s14+$0xC0] =	vst v16;
	v16 =	vadd.f32 v20, v17;
	v17 =	vmul.f32 v26, v12  }
0x267: {  	v20 =	vld [tilespmem:s13+$0xD0]  }
0x268: {  	v23 =	vmul.f32 v23, v14;
	v26 =	vld [tilespmem:s15+$0xD0];
	[tilespmem:s10+$0xFFFFFF50] =	vst v16  }
0x269: {  	v16 =	vmul.f32 v24, v15;
	v24 =	vmul.f32 v25, v2;
	v25 =	vld [tilespmem:s12+$0xFFFFFF60]  }
0x26a: {  	v21 =	vmul.f32 v21, v3;
	v18 =	vadd.f32 v23, v18;
	v23 =	vld [tilespmem:s11+$0xFFFFFF60]  }
0x26b: {  	v22 =	vmul.f32 v22, v5;
	v27 =	vld [tilespmem:s14+$0x60]  }
0x26c: {  	v16 =	vadd.f32 v21, v16;
	v18 =	vadd.f32 v24, v18;
	v20 =	vmul.f32 v20, v4;
	v21 =	vld [tilespmem:s14+$0xE0]  }
0x26d: {  	v24 =	vmul.f32 v26, v6;
	v26 =	vld [tilespmem:s10+$0xFFFFFF70]  }
0x26e: {  	v16 =	vadd.f32 v22, v16;
	v22 =	vld [tilespmem:s14+$0xFFFFFFE0];
	[tilespmem:s14+$0x50] =	vst v18;
	v18 =	vadd.f32 v20, v19;
	v19 =	vmul.f32 v25, v11  }
0x26f: {  	v20 =	vld [tilespmem:s13+$0x60];
	v23 =	vmul.f32 v23, v10  }
0x270: {  	[tilespmem:s14+$0xFFFFFFD0] =	vst v16;
	v16 =	vmul.f32 v27, v1;
	v25 =	vld [tilespmem:s15+$0x60];
	v18 =	vadd.f32 v24, v18;
	v17 =	vadd.f32 v19, v17  }
0x271: {  	v19 =	vld [tilespmem:s13+$0xFFFFFFE0];
	v21 =	vmul.f32 v21, v13  }
0x272: {  	v24 =	vld [tilespmem:s15+$0xFFFFFFE0];
	[tilespmem:s14+$0xD0] =	vst v18;
	v17 =	vadd.f32 v23, v17  }
0x273: {  	v18 =	vmul.f32 v22, v15;
	v22 =	vld [tilespmem:s13+$0xE0]  }
0x274: {  	v20 =	vmul.f32 v20, v14;
	v23 =	vld [tilespmem:s15+$0xE0];
	[tilespmem:s10+$0xFFFFFF60] =	vst v17  }
0x275: {  	v17 =	vmul.f32 v25, v2;
	v25 =	vld [tilespmem:s12+$0xFFFFFF70];
	s12 =	smov.u32 s13  }
0x276: {  	v19 =	vmul.f32 v19, v3;
	v16 =	vadd.f32 v20, v16;
	v20 =	vld [tilespmem:s11+$0xFFFFFF70];
	s11 =	smov.u32 s15  }
0x277: {  	v24 =	vmul.f32 v24, v5;
	v27 =	vld [tilespmem:s14+$0xF0]  }
0x278: {  	v18 =	vadd.f32 v19, v18;
	v19 =	vld [tilespmem:s14+$0xFFFFFFF0];
	v16 =	vadd.f32 v17, v16;
	v17 =	vmul.f32 v22, v4  }
0x279: {  	v12 =	vmul.f32 v26, v12;
	v22 =	vld [tilespmem:s14+$0xFFFFFF10];
	v28 =	vmul.f32 v23, v6  }
0x27a: {  	v23 =	vld [tilespmem:s15+$0xFFFFFF00];
	v18 =	vadd.f32 v24, v18;
	[tilespmem:s14+$0x60] =	vst v16;
	v17 =	vadd.f32 v17, v21;
	v11 =	vmul.f32 v25, v11  }
0x27b: {  	v21 =	vmov s18;
	v25 =	vld [tilespmem:s13+$0x70]  }
.Ltmp8:
0x27c: {  	v10 =	vmul.f32 v20, v10;
	[tilespmem:s14+$0xFFFFFFE0] =	vst v18;
	v16 =	vld [tilespmem:s15+$0x70];
	v17 =	vadd.f32 v28, v17;
	v11 =	vadd.f32 v11, v12;
	(pc) =	sbr.rel @p1 .LBB2_11-.Ltmp8, $4  }
0x27d: {  	v12 =	vand.u32 $0xF, v21;
	v21 =	vmul.f32 v27, v13;
	v18 =	vmul.f32 v19, v15;
	v20 =	vld [tilespmem:s13+$0xFFFFFFF0]  }
0x27e: {  	v24 =	vbroadcast v12, $0x0;
	v19 =	vld [tilespmem:s15+$0xFFFFFFF0];
	[tilespmem:s14+$0xE0] =	vst v17;
	v11 =	vadd.f32 v10, v11  }
0x27f: {  	s25 =	smov.u32 s16;
	v15 =	vld [tilespmem:s13+$0xFFFFFF00]  }
0x280: {  	v10 =	vperm.xlane v9, v24;
	s13 =	sadd.s32 $0x200, s13;
	v13 =	vld [tilespmem:s14+$0xFFFFFF00];
	v17 =	vmul.f32 v25, v14;
	[tilespmem:s10+$0xFFFFFF70] =	vst v11;
	s10 =	smov.u32 s14;
	s14 =	sadd.s32 $0x200, s14  }
0x281: {  	_ =	sdelay $0x1  }
0x282: {  	v7 =	vperm.xlane v7, v24;
	v8 =	vperm.xlane v8, v24;
	_ =	sdelay $0x1  }
0x283: {  	v11 =	vmul.f32 v15, v8;
	v9 =	vmul.f32 v13, v7;
	_ =	sdelay $0x1  }
0x284: {  	v12 =	vmul.f32 v23, v10;
	v9 =	vadd.f32 v11, v9;
	_ =	sdelay $0x1  }
0x285: {  	v9 =	vadd.f32 v12, v9;
	_ =	sdelay $0x1  }
0x286: {  	[tilespmem:s10+$0xFFFFFF00] =	vst v9  }
0x287: {  	v9 =	vld [tilespmem:s12+$0xFFFFFF10];
	_ =	sdelay $0x1  }
0x288: {  	v43 =	vld [tilespmem:s11+$0xFFFFFF10];
	_ =	sdelay $0x2  }
0x289: {  	v44 =	vmul.f32 v22, v7;
	v9 =	vmul.f32 v9, v8;
	_ =	sdelay $0x1  }
0x28a: {  	v11 =	vmul.f32 v43, v10;
	v9 =	vadd.f32 v9, v44;
	_ =	sdelay $0x1  }
0x28b: {  	v9 =	vadd.f32 v11, v9;
	_ =	sdelay $0x1  }
0x28c: {  	v45 =	vld [tilespmem:s10+$0xFFFFFF20];
	[tilespmem:s10+$0xFFFFFF10] =	vst v9  }
0x28d: {  	v46 =	vld [tilespmem:s12+$0xFFFFFF20];
	_ =	sdelay $0x1  }
0x28e: {  	v47 =	vld [tilespmem:s11+$0xFFFFFF20];
	_ =	sdelay $0x2  }
0x28f: {  	v9 =	vmul.f32 v45, v7;
	v11 =	vmul.f32 v46, v8;
	_ =	sdelay $0x1  }
0x290: {  	v48 =	vmul.f32 v47, v10;
	v9 =	vadd.f32 v11, v9;
	_ =	sdelay $0x1  }
0x291: {  	v9 =	vadd.f32 v48, v9;
	_ =	sdelay $0x1  }
0x292: {  	v49 =	vld [tilespmem:s10+$0xFFFFFF30];
	[tilespmem:s10+$0xFFFFFF20] =	vst v9  }
0x293: {  	v9 =	vld [tilespmem:s12+$0xFFFFFF30];
	_ =	sdelay $0x1  }
0x294: {  	v50 =	vld [tilespmem:s11+$0xFFFFFF30];
	_ =	sdelay $0x2  }
0x295: {  	v11 =	vmul.f32 v49, v7;
	v9 =	vmul.f32 v9, v8;
	_ =	sdelay $0x1  }
0x296: {  	v51 =	vmul.f32 v50, v10;
	v9 =	vadd.f32 v9, v11;
	_ =	sdelay $0x1  }
0x297: {  	v9 =	vadd.f32 v51, v9;
	_ =	sdelay $0x1  }
0x298: {  	v52 =	vld [tilespmem:s10+$0xFFFFFF40];
	[tilespmem:s10+$0xFFFFFF30] =	vst v9  }
0x299: {  	v9 =	vld [tilespmem:s12+$0xFFFFFF40];
	_ =	sdelay $0x1  }
0x29a: {  	v53 =	vld [tilespmem:s11+$0xFFFFFF40];
	_ =	sdelay $0x2  }
0x29b: {  	v11 =	vmul.f32 v52, v7;
	v9 =	vmul.f32 v9, v8;
	_ =	sdelay $0x1  }
0x29c: {  	v12 =	vmul.f32 v53, v10;
	v9 =	vadd.f32 v9, v11;
	_ =	sdelay $0x1  }
0x29d: {  	v9 =	vadd.f32 v12, v9;
	_ =	sdelay $0x1  }
0x29e: {  	v54 =	vld [tilespmem:s10+$0xFFFFFF50];
	[tilespmem:s10+$0xFFFFFF40] =	vst v9  }
0x29f: {  	v9 =	vld [tilespmem:s12+$0xFFFFFF50];
	_ =	sdelay $0x1  }
0x2a0: {  	v55 =	vld [tilespmem:s11+$0xFFFFFF50];
	_ =	sdelay $0x2  }
0x2a1: {  	v11 =	vmul.f32 v54, v7;
	v9 =	vmul.f32 v9, v8;
	_ =	sdelay $0x1  }
0x2a2: {  	v12 =	vmul.f32 v55, v10;
	v9 =	vadd.f32 v9, v11;
	_ =	sdelay $0x1  }
0x2a3: {  	v9 =	vadd.f32 v12, v9;
	_ =	sdelay $0x1  }
0x2a4: {  	v56 =	vld [tilespmem:s10+$0xFFFFFF60];
	[tilespmem:s10+$0xFFFFFF50] =	vst v9  }
0x2a5: {  	v9 =	vld [tilespmem:s12+$0xFFFFFF60];
	_ =	sdelay $0x1  }
0x2a6: {  	v57 =	vld [tilespmem:s11+$0xFFFFFF60];
	_ =	sdelay $0x2  }
0x2a7: {  	v11 =	vmul.f32 v56, v7;
	v9 =	vmul.f32 v9, v8;
	_ =	sdelay $0x1  }
0x2a8: {  	v12 =	vmul.f32 v57, v10;
	v9 =	vadd.f32 v9, v11  }
0x2a9: {  	v58 =	vld [tilespmem:s12+$0xF0]  }
0x2aa: {  	v59 =	vld [tilespmem:s11+$0xF0];
	v9 =	vadd.f32 v12, v9  }
0x2ab: {  	v60 =	vld [tilespmem:s10+$0xFFFFFF70]  }
0x2ac: {  	v14 =	vld [tilespmem:s10+$0x70];
	[tilespmem:s10+$0xFFFFFF60] =	vst v9  }
0x2ad: {  	v9 =	vld [tilespmem:s12+$0xFFFFFF70];
	_ =	sdelay $0x1  }
0x2ae: {  	v3 =	vmul.f32 v20, v3;
	v61 =	vld [tilespmem:s11+$0xFFFFFF70]  }
0x2af: {  	v5 =	vmul.f32 v19, v5;
	v4 =	vmul.f32 v58, v4  }
0x2b0: {  	v3 =	vadd.f32 v3, v18;
	v6 =	vmul.f32 v59, v6;
	v1 =	vmul.f32 v14, v1  }
0x2b1: {  	s9 =	sadd.s32 $0x1, s9;
	v4 =	vadd.f32 v4, v21;
	v7 =	vmul.f32 v60, v7;
	v8 =	vmul.f32 v9, v8  }
0x2b2: {  	v2 =	vmul.f32 v16, v2;
	p1 =	sne.s32 s9, $0x8;
	v3 =	vadd.f32 v5, v3;
	v1 =	vadd.f32 v17, v1  }
.Ltmp9:
0x2b3: {  	v4 =	vadd.f32 v6, v4;
	v63 =	vmul.f32 v61, v10;
	v62 =	vadd.f32 v8, v7;
	(pc) =	sbr.rel @p1 .LBB2_10-.Ltmp9, $4  }
0x2b4: {  	[tilespmem:s10+$0xFFFFFFF0] =	vst v3;
	v1 =	vadd.f32 v2, v1  }
0x2b5: {  	[tilespmem:s10+$0xF0] =	vst v4;
	v2 =	vadd.f32 v63, v62  }
0x2b6: {  	[tilespmem:s10+$0x70] =	vst v1  }
0x2b7: {  	s24 =	sadd.s32 $0x800, s24;
	s7 =	sadd.s32 $0x800, s7;
	s8 =	sadd.s32 $0x800, s8;
	[tilespmem:s10+$0xFFFFFF70] =	vst v2  }
.Ltmp10:
0x2b8: {  	s0 =	sadd.s32 s5, s22;
	(pc) =	sbr.rel .LBB2_14-.Ltmp10, $4  }
0x2b9: {  	s0 =	sshll.u32 s0, $0xB  }
0x2ba: {  	s0 =	sand.u32 $0x1FFFF800, s0  }
0x2bb: {  	s0 =	sadd.s32 s1, s0  }
0x2bc: {  	[hbm4b:s0+s2] =	stream.linear.scatter [tilespmem:s30], [sflag:$0x4], $0x4000, $0x38;
	[tilespmem:$0x1D200] =	vst v63  }
.LBB2_16:
0x2bd: {  	_ =	sfence.sel $0x180000  }
0x2be: {  	[bflag:$0x0] =	sbarrier.arrive $0xFFFF  }
0x2bf: {  	_ =	strace $0x90000047  }
0x2c0: {  	[bflag:$0x2] =	sbarrier.arrive $0xFFFF  }
0x2c1: {  	s0 =	rddreg [dreg:$0x2]  }
0x2c2: {  	s0 =	sadd.s32 @!p0 $0x100000, s0  }
0x2c3: {  	[sflag:s0] =	ssyncadd.tile.s32 @!p0 $0x1;
	_ =	shalt  }
.Lfunc_end2:
_tile_overlayer_lowered:
.L_overlay_start_2:
0x2c4: {  	(tag) =	ssettag $0x2  }
0x2c5: {  	s0 =	rddreg [dreg:$0x0];
	s2 =	stileid.u32  }
0x2c6: {  	s1 =	rddreg [dreg:$0x1];
	p0 =	sne.s32 s2, $0x0  }
0x2c7: {  	s3 =	rddreg [dreg:$0x2];
	[bflag:$0x3] =	sbarrier.arrive $0xFFFF;
	s2 =	simm.s32 @!p0 $0x1C05  }
0x2c8: {  	[timem:s3], [sflag:s2] =	dma.local @!p0 [hbm:s0], s1  }
0x2c9: {  	s0 =	simm.s32 @!p0 $0x5  }
0x2ca: {  	_ =	swait.ge @!p0 [sflag:s0], s1  }
0x2cb: {  	s1 =	ssub.s32 @!p0 $0x0, s1;
	[sflag:s0] =	ssyncset.done @!p0 $0x0  }
0x2cc: {  	[sflag:s0] =	ssyncadd.s32 @!p0 s1  }
0x2cd: {  	[bflag:$0x3] =	sbarrier.arrive $0xFFFF  }
0x2ce: {  	_ =	shalt  }

</sc_bundles>
